<compile_context>
chip_gen: v7x
topology: tpu7x:2x2x1
jax: 0.10.2.dev20260603
libtpu: 0.0.44.dev20260713+nightly
codegen_flags: <defaults>
</compile_context>

<pallas_src>
import functools

import jax
import jax.numpy as jnp
from jax import lax
from jax.experimental import pallas as pl
from jax.experimental.pallas import tpu as pltpu
from jax.experimental.pallas import tpu_sc as plsc

M = 16384
K = 8192
D = 256
TM = 2048
TK = 8192
GM = M // TM
GK = K // TK

NC = 2
NS = 16
NW = NC * NS
ROWS_PER_W = M // NW
CHUNK = 128
NCHUNK = ROWS_PER_W // CHUNK


SUB = 512
NSUB = TK // SUB


def _argmin_body(xs_ref, e_ref, xn_ref, cn_ref, col_ref, idx_ref,
                 run_min, run_idx):
    k = pl.program_id(1)

    @pl.when(k == 0)
    def _init():
        run_min[...] = jnp.full((TM, 1), jnp.inf, jnp.float32)
        run_idx[...] = jnp.zeros((TM, 1), jnp.float32)

    xs = xs_ref[...] * jnp.float32(-2.0)
    xn = xn_ref[...]
    rm = run_min[...]
    ri = run_idx[...]
    for c in range(NSUB):
        e = e_ref[pl.ds(c * SUB, SUB), :]
        mm = lax.dot_general(xs, e, (((1,), (1,)), ((), ())),
                             preferred_element_type=jnp.float32)
        dist = (xn + mm) + cn_ref[:, pl.ds(c * SUB, SUB)]
        min_d = jnp.min(dist, axis=1, keepdims=True)
        cand_idx = jnp.min(
            jnp.where(dist == min_d, col_ref[:, pl.ds(c * SUB, SUB)],
                      jnp.float32(K)),
            axis=1, keepdims=True)
        better = min_d < rm
        ri = jnp.where(better, cand_idx, ri)
        rm = jnp.where(better, min_d, rm)
    run_min[...] = rm
    run_idx[...] = ri

    @pl.when(k == GK - 1)
    def _out():
        idx_ref[...] = ri.astype(jnp.int32)


def _nearest_idx(flat, codebook, xnorm, cnorm, cols):
    return pl.pallas_call(
        _argmin_body,
        grid=(GM, GK),
        in_specs=[
            pl.BlockSpec((TM, D), lambda m, k: (m, 0)),
            pl.BlockSpec((TK, D), lambda m, k: (k, 0)),
            pl.BlockSpec((TM, 1), lambda m, k: (m, 0)),
            pl.BlockSpec((1, TK), lambda m, k: (0, k)),
            pl.BlockSpec((1, TK), lambda m, k: (0, k)),
        ],
        out_specs=pl.BlockSpec((TM, 1), lambda m, k: (m, 0)),
        out_shape=jax.ShapeDtypeStruct((M, 1), jnp.int32),
        scratch_shapes=[
            pltpu.VMEM((TM, 1), jnp.float32),
            pltpu.VMEM((TM, 1), jnp.float32),
        ],
    )(flat, codebook, xnorm, cnorm, cols)


@functools.cache
def _sc_gather_fn():
    @functools.partial(
        pl.kernel,
        mesh=plsc.VectorSubcoreMesh(core_axis_name="c", subcore_axis_name="s"),
        out_type=jax.ShapeDtypeStruct((M, D), jnp.float32),
        scratch_types=[
            pltpu.VMEM((NCHUNK, CHUNK), jnp.int32),
            pltpu.VMEM((CHUNK, D), jnp.float32),
            pltpu.SemaphoreType.DMA,
        ],
    )
    def _sc_gather(table_hbm, idx_hbm, out_hbm, idx_v, rows_v, sem):
        wid = lax.axis_index("s") * NC + lax.axis_index("c")
        pltpu.sync_copy(idx_hbm.at[pl.ds(wid * NCHUNK, NCHUNK)], idx_v)
        for j in range(NCHUNK):
            pltpu.async_copy(table_hbm.at[idx_v.at[j]], rows_v, sem).wait()
            pltpu.sync_copy(
                rows_v,
                out_hbm.at[pl.ds(wid * ROWS_PER_W + j * CHUNK, CHUNK)])

    return _sc_gather


def kernel(z, codebook):
    B, T, _ = z.shape
    flat = z.reshape(-1, D)
    xnorm = jnp.sum(flat * flat, axis=-1, keepdims=True)
    cnorm = jnp.sum(codebook * codebook, axis=-1)[None, :]
    cols = jnp.arange(K, dtype=jnp.float32)[None, :]
    idx = _nearest_idx(flat, codebook, xnorm, cnorm, cols)
    q = _sc_gather_fn()(codebook, idx.reshape(M // CHUNK, CHUNK))
    q = q.reshape(B, T, D)
    return z + lax.stop_gradient(q - z)

# --- scband reference (transcript-rebuilt; emitter-appended) ---
"""Pipeline reference for scband-audio-quantizer-86629490361079 (READ-ONLY COPY).

The authoritative reference and input builder live on the scoring server;
editing this copy changes nothing except your own understanding.
"""

import jax, jax.numpy as jnp
import numpy as np

CODEBOOK_SIZE = 8192
CODEBOOK_DIM = 256

def setup_inputs(seed: int = 0) -> dict:
    key = jax.random.key(seed)
    k1, k2 = jax.random.split(key)
    z = jax.random.normal(k1, (8, 2048, CODEBOOK_DIM), dtype=jnp.float32)
    codebook = jax.random.normal(k2, (CODEBOOK_SIZE, CODEBOOK_DIM), dtype=jnp.float32) * 0.02
    return {"z": z, "codebook": codebook}

def reference(z, codebook):
    B, T, D = z.shape
    flat = z.reshape(-1, D)
    # squared L2 distances to every codebook entry: ||x||^2 - 2 x.e + ||e||^2
    dist = (
        jnp.sum(flat * flat, axis=-1, keepdims=True)
        - 2.0 * flat @ codebook.T
        + jnp.sum(codebook * codebook, axis=-1)[None, :]
    )
    idx = jnp.argmin(dist, axis=-1)
    q = jnp.take(codebook, idx, axis=0).reshape(B, T, D)
    # straight-through estimator
    quantized = z + jax.lax.stop_gradient(q - z)
    return quantized

if __name__ == "__main__":
    import jax
    _d = setup_inputs()
    print(jax.jit(kernel)(*tuple(_d.values())))

</pallas_src>

<mosaic_0001>
#map = affine_map<(d0, d1) -> (0, 0)>
module attributes {stable_mosaic.version = 14 : i64} {
  func.func @_sc_gather(%arg0: i32, %arg1: i32, %arg2: memref<8192x256xf32, #tpu.memory_space<hbm>>, %arg3: memref<128x128xi32, #tpu.memory_space<hbm>>, %arg4: memref<16384x256xf32, #tpu.memory_space<hbm>>, %arg5: memref<4x128xi32, #tpu.memory_space<vmem>>, %arg6: memref<128x256xf32, #tpu.memory_space<vmem>>, %arg7: memref<!tpu.dma_semaphore, #tpu.memory_space<semaphore_mem>>) attributes {dimension_semantics = [#tpu.dimension_semantics<core_parallel>, #tpu.dimension_semantics<subcore_parallel>], iteration_bounds = array<i64: 2, 16>, scalar_prefetch = 0 : i64, scratch_operands = 3 : i64, tpu.core_type = #tpu.core_type<sc_vector_subcore>, window_params = [{transform_indices = #map}, {transform_indices = #map}, {transform_indices = #map}]} {
    %mul3A = arith.constant 2 : i32
    %mul3A_0 = arith.muli %arg1, %mul3A : i32
    %add3A = arith.addi %mul3A_0, %arg0 : i32
    %mul3A_1 = arith.constant 4 : i32
    %mul3A_2 = arith.muli %add3A, %mul3A_1 : i32
    "tpu.region"() ({
      %run_scoped3A = tpu.sem_alloc : memref<!tpu.dma_semaphore, #tpu.memory_space<semaphore_mem>>
      %dma_start3A_73 = arith.constant 0 : i32
      %dma_start3A_74 = tpu.memref_slice %arg3[%mul3A_2, %dma_start3A_73] : memref<128x128xi32, #tpu.memory_space<hbm>> -> memref<4x128xi32, #tpu.memory_space<hbm>>
      %dma_start3A_75 = arith.constant 0 : i32
      %dma_start3A_76 = tpu.memref_slice %arg3[%mul3A_2, %dma_start3A_75] : memref<128x128xi32, #tpu.memory_space<hbm>> -> memref<4x128xi32, #tpu.memory_space<hbm>>
      tpu.enqueue_dma source(%dma_start3A_76 : memref<4x128xi32, #tpu.memory_space<hbm>>) target(%arg5 : memref<4x128xi32, #tpu.memory_space<vmem>>) target_semaphore(%run_scoped3A : memref<!tpu.dma_semaphore, #tpu.memory_space<semaphore_mem>>)
      %dma_wait3A_77 = arith.constant 0 : i32
      %dma_wait3A_78 = tpu.memref_slice %arg3[%mul3A_2, %dma_wait3A_77] : memref<128x128xi32, #tpu.memory_space<hbm>> -> memref<4x128xi32, #tpu.memory_space<hbm>>
      %dma_wait3A_79 = arith.constant 0 : i32
      %dma_wait3A_80 = tpu.memref_slice %arg3[%mul3A_2, %dma_wait3A_79] : memref<128x128xi32, #tpu.memory_space<hbm>> -> memref<4x128xi32, #tpu.memory_space<hbm>>
      tpu.wait_dma2 semaphore(%run_scoped3A : memref<!tpu.dma_semaphore, #tpu.memory_space<semaphore_mem>>) src(%dma_wait3A_80 : memref<4x128xi32, #tpu.memory_space<hbm>>) dst(%arg5 : memref<4x128xi32, #tpu.memory_space<vmem>>)
      tpu.yield
    }) : () -> ()
    %dma_start3A = arith.constant 0 : i32
    %dma_start3A_3 = arith.constant 0 : i32
    %dma_start3A_4 = tpu.memref_slice %arg5[%dma_start3A, %dma_start3A_3] : memref<4x128xi32, #tpu.memory_space<vmem>> -> memref<1x128xi32, #tpu.memory_space<vmem>>
    %dma_start3A_5 = tpu.memref_squeeze %dma_start3A_4 : memref<1x128xi32, #tpu.memory_space<vmem>> -> memref<128xi32, #tpu.memory_space<vmem>>
    %dma_start3A_6 = arith.constant 0 : i32
    %dma_start3A_7 = arith.constant 0 : i32
    %dma_start3A_8 = tpu.memref_slice %arg2[%dma_start3A_6, %dma_start3A_7] : memref<8192x256xf32, #tpu.memory_space<hbm>> -> memref<8192x256xf32, #tpu.memory_space<hbm>>
    tpu.enqueue_indirect_dma source(%dma_start3A_8 : memref<8192x256xf32, #tpu.memory_space<hbm>>) target(%arg6 : memref<128x256xf32, #tpu.memory_space<vmem>>) offsets(%dma_start3A_5 : memref<128xi32, #tpu.memory_space<vmem>>) semaphore(%arg7 : memref<!tpu.dma_semaphore, #tpu.memory_space<semaphore_mem>>)
    %dma_wait3A = arith.constant 0 : i32
    %dma_wait3A_9 = arith.constant 0 : i32
    %dma_wait3A_10 = tpu.memref_slice %arg5[%dma_wait3A, %dma_wait3A_9] : memref<4x128xi32, #tpu.memory_space<vmem>> -> memref<1x128xi32, #tpu.memory_space<vmem>>
    %dma_wait3A_11 = tpu.memref_squeeze %dma_wait3A_10 : memref<1x128xi32, #tpu.memory_space<vmem>> -> memref<128xi32, #tpu.memory_space<vmem>>
    %dma_wait3A_12 = arith.constant 0 : i32
    %dma_wait3A_13 = arith.constant 0 : i32
    %dma_wait3A_14 = tpu.memref_slice %arg2[%dma_wait3A_12, %dma_wait3A_13] : memref<8192x256xf32, #tpu.memory_space<hbm>> -> memref<8192x256xf32, #tpu.memory_space<hbm>>
    tpu.wait_indirect_dma semaphore(%arg7 : memref<!tpu.dma_semaphore, #tpu.memory_space<semaphore_mem>>) src(%dma_wait3A_14 : memref<8192x256xf32, #tpu.memory_space<hbm>>) dst(%arg6 : memref<128x256xf32, #tpu.memory_space<vmem>>)
    %mul3A_15 = arith.constant 512 : i32
    %mul3A_16 = arith.muli %add3A, %mul3A_15 : i32
    %add3A_17 = arith.constant 0 : i32
    %add3A_18 = arith.addi %mul3A_16, %add3A_17 : i32
    "tpu.region"() ({
      %run_scoped3A = tpu.sem_alloc : memref<!tpu.dma_semaphore, #tpu.memory_space<semaphore_mem>>
      %dma_start3A_73 = arith.constant 0 : i32
      %dma_start3A_74 = tpu.memref_slice %arg4[%add3A_18, %dma_start3A_73] : memref<16384x256xf32, #tpu.memory_space<hbm>> -> memref<128x256xf32, #tpu.memory_space<hbm>>
      %dma_start3A_75 = arith.constant 0 : i32
      %dma_start3A_76 = tpu.memref_slice %arg4[%add3A_18, %dma_start3A_75] : memref<16384x256xf32, #tpu.memory_space<hbm>> -> memref<128x256xf32, #tpu.memory_space<hbm>>
      tpu.enqueue_dma source(%arg6 : memref<128x256xf32, #tpu.memory_space<vmem>>) target(%dma_start3A_76 : memref<128x256xf32, #tpu.memory_space<hbm>>) target_semaphore(%run_scoped3A : memref<!tpu.dma_semaphore, #tpu.memory_space<semaphore_mem>>)
      %dma_wait3A_77 = arith.constant 0 : i32
      %dma_wait3A_78 = tpu.memref_slice %arg4[%add3A_18, %dma_wait3A_77] : memref<16384x256xf32, #tpu.memory_space<hbm>> -> memref<128x256xf32, #tpu.memory_space<hbm>>
      %dma_wait3A_79 = arith.constant 0 : i32
      %dma_wait3A_80 = tpu.memref_slice %arg4[%add3A_18, %dma_wait3A_79] : memref<16384x256xf32, #tpu.memory_space<hbm>> -> memref<128x256xf32, #tpu.memory_space<hbm>>
      tpu.wait_dma2 semaphore(%run_scoped3A : memref<!tpu.dma_semaphore, #tpu.memory_space<semaphore_mem>>) src(%arg6 : memref<128x256xf32, #tpu.memory_space<vmem>>) dst(%dma_wait3A_80 : memref<128x256xf32, #tpu.memory_space<hbm>>)
      tpu.yield
    }) : () -> ()
    %dma_start3A_19 = arith.constant 1 : i32
    %dma_start3A_20 = arith.constant 0 : i32
    %dma_start3A_21 = tpu.memref_slice %arg5[%dma_start3A_19, %dma_start3A_20] : memref<4x128xi32, #tpu.memory_space<vmem>> -> memref<1x128xi32, #tpu.memory_space<vmem>>
    %dma_start3A_22 = tpu.memref_squeeze %dma_start3A_21 : memref<1x128xi32, #tpu.memory_space<vmem>> -> memref<128xi32, #tpu.memory_space<vmem>>
    %dma_start3A_23 = arith.constant 0 : i32
    %dma_start3A_24 = arith.constant 0 : i32
    %dma_start3A_25 = tpu.memref_slice %arg2[%dma_start3A_23, %dma_start3A_24] : memref<8192x256xf32, #tpu.memory_space<hbm>> -> memref<8192x256xf32, #tpu.memory_space<hbm>>
    tpu.enqueue_indirect_dma source(%dma_start3A_25 : memref<8192x256xf32, #tpu.memory_space<hbm>>) target(%arg6 : memref<128x256xf32, #tpu.memory_space<vmem>>) offsets(%dma_start3A_22 : memref<128xi32, #tpu.memory_space<vmem>>) semaphore(%arg7 : memref<!tpu.dma_semaphore, #tpu.memory_space<semaphore_mem>>)
    %dma_wait3A_26 = arith.constant 1 : i32
    %dma_wait3A_27 = arith.constant 0 : i32
    %dma_wait3A_28 = tpu.memref_slice %arg5[%dma_wait3A_26, %dma_wait3A_27] : memref<4x128xi32, #tpu.memory_space<vmem>> -> memref<1x128xi32, #tpu.memory_space<vmem>>
    %dma_wait3A_29 = tpu.memref_squeeze %dma_wait3A_28 : memref<1x128xi32, #tpu.memory_space<vmem>> -> memref<128xi32, #tpu.memory_space<vmem>>
    %dma_wait3A_30 = arith.constant 0 : i32
    %dma_wait3A_31 = arith.constant 0 : i32
    %dma_wait3A_32 = tpu.memref_slice %arg2[%dma_wait3A_30, %dma_wait3A_31] : memref<8192x256xf32, #tpu.memory_space<hbm>> -> memref<8192x256xf32, #tpu.memory_space<hbm>>
    tpu.wait_indirect_dma semaphore(%arg7 : memref<!tpu.dma_semaphore, #tpu.memory_space<semaphore_mem>>) src(%dma_wait3A_32 : memref<8192x256xf32, #tpu.memory_space<hbm>>) dst(%arg6 : memref<128x256xf32, #tpu.memory_space<vmem>>)
    %mul3A_33 = arith.constant 512 : i32
    %mul3A_34 = arith.muli %add3A, %mul3A_33 : i32
    %add3A_35 = arith.constant 128 : i32
    %add3A_36 = arith.addi %mul3A_34, %add3A_35 : i32
    "tpu.region"() ({
      %run_scoped3A = tpu.sem_alloc : memref<!tpu.dma_semaphore, #tpu.memory_space<semaphore_mem>>
      %dma_start3A_73 = arith.constant 0 : i32
      %dma_start3A_74 = tpu.memref_slice %arg4[%add3A_36, %dma_start3A_73] : memref<16384x256xf32, #tpu.memory_space<hbm>> -> memref<128x256xf32, #tpu.memory_space<hbm>>
      %dma_start3A_75 = arith.constant 0 : i32
      %dma_start3A_76 = tpu.memref_slice %arg4[%add3A_36, %dma_start3A_75] : memref<16384x256xf32, #tpu.memory_space<hbm>> -> memref<128x256xf32, #tpu.memory_space<hbm>>
      tpu.enqueue_dma source(%arg6 : memref<128x256xf32, #tpu.memory_space<vmem>>) target(%dma_start3A_76 : memref<128x256xf32, #tpu.memory_space<hbm>>) target_semaphore(%run_scoped3A : memref<!tpu.dma_semaphore, #tpu.memory_space<semaphore_mem>>)
      %dma_wait3A_77 = arith.constant 0 : i32
      %dma_wait3A_78 = tpu.memref_slice %arg4[%add3A_36, %dma_wait3A_77] : memref<16384x256xf32, #tpu.memory_space<hbm>> -> memref<128x256xf32, #tpu.memory_space<hbm>>
      %dma_wait3A_79 = arith.constant 0 : i32
      %dma_wait3A_80 = tpu.memref_slice %arg4[%add3A_36, %dma_wait3A_79] : memref<16384x256xf32, #tpu.memory_space<hbm>> -> memref<128x256xf32, #tpu.memory_space<hbm>>
      tpu.wait_dma2 semaphore(%run_scoped3A : memref<!tpu.dma_semaphore, #tpu.memory_space<semaphore_mem>>) src(%arg6 : memref<128x256xf32, #tpu.memory_space<vmem>>) dst(%dma_wait3A_80 : memref<128x256xf32, #tpu.memory_space<hbm>>)
      tpu.yield
    }) : () -> ()
    %dma_start3A_37 = arith.constant 2 : i32
    %dma_start3A_38 = arith.constant 0 : i32
    %dma_start3A_39 = tpu.memref_slice %arg5[%dma_start3A_37, %dma_start3A_38] : memref<4x128xi32, #tpu.memory_space<vmem>> -> memref<1x128xi32, #tpu.memory_space<vmem>>
    %dma_start3A_40 = tpu.memref_squeeze %dma_start3A_39 : memref<1x128xi32, #tpu.memory_space<vmem>> -> memref<128xi32, #tpu.memory_space<vmem>>
    %dma_start3A_41 = arith.constant 0 : i32
    %dma_start3A_42 = arith.constant 0 : i32
    %dma_start3A_43 = tpu.memref_slice %arg2[%dma_start3A_41, %dma_start3A_42] : memref<8192x256xf32, #tpu.memory_space<hbm>> -> memref<8192x256xf32, #tpu.memory_space<hbm>>
    tpu.enqueue_indirect_dma source(%dma_start3A_43 : memref<8192x256xf32, #tpu.memory_space<hbm>>) target(%arg6 : memref<128x256xf32, #tpu.memory_space<vmem>>) offsets(%dma_start3A_40 : memref<128xi32, #tpu.memory_space<vmem>>) semaphore(%arg7 : memref<!tpu.dma_semaphore, #tpu.memory_space<semaphore_mem>>)
    %dma_wait3A_44 = arith.constant 2 : i32
    %dma_wait3A_45 = arith.constant 0 : i32
    %dma_wait3A_46 = tpu.memref_slice %arg5[%dma_wait3A_44, %dma_wait3A_45] : memref<4x128xi32, #tpu.memory_space<vmem>> -> memref<1x128xi32, #tpu.memory_space<vmem>>
    %dma_wait3A_47 = tpu.memref_squeeze %dma_wait3A_46 : memref<1x128xi32, #tpu.memory_space<vmem>> -> memref<128xi32, #tpu.memory_space<vmem>>
    %dma_wait3A_48 = arith.constant 0 : i32
    %dma_wait3A_49 = arith.constant 0 : i32
    %dma_wait3A_50 = tpu.memref_slice %arg2[%dma_wait3A_48, %dma_wait3A_49] : memref<8192x256xf32, #tpu.memory_space<hbm>> -> memref<8192x256xf32, #tpu.memory_space<hbm>>
    tpu.wait_indirect_dma semaphore(%arg7 : memref<!tpu.dma_semaphore, #tpu.memory_space<semaphore_mem>>) src(%dma_wait3A_50 : memref<8192x256xf32, #tpu.memory_space<hbm>>) dst(%arg6 : memref<128x256xf32, #tpu.memory_space<vmem>>)
    %mul3A_51 = arith.constant 512 : i32
    %mul3A_52 = arith.muli %add3A, %mul3A_51 : i32
    %add3A_53 = arith.constant 256 : i32
    %add3A_54 = arith.addi %mul3A_52, %add3A_53 : i32
    "tpu.region"() ({
      %run_scoped3A = tpu.sem_alloc : memref<!tpu.dma_semaphore, #tpu.memory_space<semaphore_mem>>
      %dma_start3A_73 = arith.constant 0 : i32
      %dma_start3A_74 = tpu.memref_slice %arg4[%add3A_54, %dma_start3A_73] : memref<16384x256xf32, #tpu.memory_space<hbm>> -> memref<128x256xf32, #tpu.memory_space<hbm>>
      %dma_start3A_75 = arith.constant 0 : i32
      %dma_start3A_76 = tpu.memref_slice %arg4[%add3A_54, %dma_start3A_75] : memref<16384x256xf32, #tpu.memory_space<hbm>> -> memref<128x256xf32, #tpu.memory_space<hbm>>
      tpu.enqueue_dma source(%arg6 : memref<128x256xf32, #tpu.memory_space<vmem>>) target(%dma_start3A_76 : memref<128x256xf32, #tpu.memory_space<hbm>>) target_semaphore(%run_scoped3A : memref<!tpu.dma_semaphore, #tpu.memory_space<semaphore_mem>>)
      %dma_wait3A_77 = arith.constant 0 : i32
      %dma_wait3A_78 = tpu.memref_slice %arg4[%add3A_54, %dma_wait3A_77] : memref<16384x256xf32, #tpu.memory_space<hbm>> -> memref<128x256xf32, #tpu.memory_space<hbm>>
      %dma_wait3A_79 = arith.constant 0 : i32
      %dma_wait3A_80 = tpu.memref_slice %arg4[%add3A_54, %dma_wait3A_79] : memref<16384x256xf32, #tpu.memory_space<hbm>> -> memref<128x256xf32, #tpu.memory_space<hbm>>
      tpu.wait_dma2 semaphore(%run_scoped3A : memref<!tpu.dma_semaphore, #tpu.memory_space<semaphore_mem>>) src(%arg6 : memref<128x256xf32, #tpu.memory_space<vmem>>) dst(%dma_wait3A_80 : memref<128x256xf32, #tpu.memory_space<hbm>>)
      tpu.yield
    }) : () -> ()
    %dma_start3A_55 = arith.constant 3 : i32
    %dma_start3A_56 = arith.constant 0 : i32
    %dma_start3A_57 = tpu.memref_slice %arg5[%dma_start3A_55, %dma_start3A_56] : memref<4x128xi32, #tpu.memory_space<vmem>> -> memref<1x128xi32, #tpu.memory_space<vmem>>
    %dma_start3A_58 = tpu.memref_squeeze %dma_start3A_57 : memref<1x128xi32, #tpu.memory_space<vmem>> -> memref<128xi32, #tpu.memory_space<vmem>>
    %dma_start3A_59 = arith.constant 0 : i32
    %dma_start3A_60 = arith.constant 0 : i32
    %dma_start3A_61 = tpu.memref_slice %arg2[%dma_start3A_59, %dma_start3A_60] : memref<8192x256xf32, #tpu.memory_space<hbm>> -> memref<8192x256xf32, #tpu.memory_space<hbm>>
    tpu.enqueue_indirect_dma source(%dma_start3A_61 : memref<8192x256xf32, #tpu.memory_space<hbm>>) target(%arg6 : memref<128x256xf32, #tpu.memory_space<vmem>>) offsets(%dma_start3A_58 : memref<128xi32, #tpu.memory_space<vmem>>) semaphore(%arg7 : memref<!tpu.dma_semaphore, #tpu.memory_space<semaphore_mem>>)
    %dma_wait3A_62 = arith.constant 3 : i32
    %dma_wait3A_63 = arith.constant 0 : i32
    %dma_wait3A_64 = tpu.memref_slice %arg5[%dma_wait3A_62, %dma_wait3A_63] : memref<4x128xi32, #tpu.memory_space<vmem>> -> memref<1x128xi32, #tpu.memory_space<vmem>>
    %dma_wait3A_65 = tpu.memref_squeeze %dma_wait3A_64 : memref<1x128xi32, #tpu.memory_space<vmem>> -> memref<128xi32, #tpu.memory_space<vmem>>
    %dma_wait3A_66 = arith.constant 0 : i32
    %dma_wait3A_67 = arith.constant 0 : i32
    %dma_wait3A_68 = tpu.memref_slice %arg2[%dma_wait3A_66, %dma_wait3A_67] : memref<8192x256xf32, #tpu.memory_space<hbm>> -> memref<8192x256xf32, #tpu.memory_space<hbm>>
    tpu.wait_indirect_dma semaphore(%arg7 : memref<!tpu.dma_semaphore, #tpu.memory_space<semaphore_mem>>) src(%dma_wait3A_68 : memref<8192x256xf32, #tpu.memory_space<hbm>>) dst(%arg6 : memref<128x256xf32, #tpu.memory_space<vmem>>)
    %mul3A_69 = arith.constant 512 : i32
    %mul3A_70 = arith.muli %add3A, %mul3A_69 : i32
    %add3A_71 = arith.constant 384 : i32
    %add3A_72 = arith.addi %mul3A_70, %add3A_71 : i32
    "tpu.region"() ({
      %run_scoped3A = tpu.sem_alloc : memref<!tpu.dma_semaphore, #tpu.memory_space<semaphore_mem>>
      %dma_start3A_73 = arith.constant 0 : i32
      %dma_start3A_74 = tpu.memref_slice %arg4[%add3A_72, %dma_start3A_73] : memref<16384x256xf32, #tpu.memory_space<hbm>> -> memref<128x256xf32, #tpu.memory_space<hbm>>
      %dma_start3A_75 = arith.constant 0 : i32
      %dma_start3A_76 = tpu.memref_slice %arg4[%add3A_72, %dma_start3A_75] : memref<16384x256xf32, #tpu.memory_space<hbm>> -> memref<128x256xf32, #tpu.memory_space<hbm>>
      tpu.enqueue_dma source(%arg6 : memref<128x256xf32, #tpu.memory_space<vmem>>) target(%dma_start3A_76 : memref<128x256xf32, #tpu.memory_space<hbm>>) target_semaphore(%run_scoped3A : memref<!tpu.dma_semaphore, #tpu.memory_space<semaphore_mem>>)
      %dma_wait3A_77 = arith.constant 0 : i32
      %dma_wait3A_78 = tpu.memref_slice %arg4[%add3A_72, %dma_wait3A_77] : memref<16384x256xf32, #tpu.memory_space<hbm>> -> memref<128x256xf32, #tpu.memory_space<hbm>>
      %dma_wait3A_79 = arith.constant 0 : i32
      %dma_wait3A_80 = tpu.memref_slice %arg4[%add3A_72, %dma_wait3A_79] : memref<16384x256xf32, #tpu.memory_space<hbm>> -> memref<128x256xf32, #tpu.memory_space<hbm>>
      tpu.wait_dma2 semaphore(%run_scoped3A : memref<!tpu.dma_semaphore, #tpu.memory_space<semaphore_mem>>) src(%arg6 : memref<128x256xf32, #tpu.memory_space<vmem>>) dst(%dma_wait3A_80 : memref<128x256xf32, #tpu.memory_space<hbm>>)
      tpu.yield
    }) : () -> ()
    return
  }
}

module attributes {stable_mosaic.version = 14 : i64} {
  func.func @_argmin_body(%arg0: i32, %arg1: i32, %arg2: memref<2048x256xf32, #tpu.memory_space<vmem>>, %arg3: memref<8192x256xf32, #tpu.memory_space<vmem>>, %arg4: memref<2048x1xf32, #tpu.memory_space<vmem>>, %arg5: memref<1x8192xf32, #tpu.memory_space<vmem>>, %arg6: memref<1x8192xf32, #tpu.memory_space<vmem>>, %arg7: memref<2048x1xi32, #tpu.memory_space<vmem>>, %arg8: memref<2048x1xf32, #tpu.memory_space<vmem>>, %arg9: memref<2048x1xf32, #tpu.memory_space<vmem>>) attributes {dimension_semantics = [#tpu.dimension_semantics<arbitrary>, #tpu.dimension_semantics<arbitrary>], iteration_bounds = array<i64: 8, 1>, scalar_prefetch = 0 : i64, scratch_operands = 2 : i64, tpu.core_type = #tpu.core_type<tc>, window_params = [{transform_indices = @transform_0, window_bounds = array<i64: 2048, 256>}, {transform_indices = @transform_1, window_bounds = array<i64: 8192, 256>}, {transform_indices = @transform_2, window_bounds = array<i64: 2048, 1>}, {transform_indices = @transform_3, window_bounds = array<i64: 1, 8192>}, {transform_indices = @transform_4, window_bounds = array<i64: 1, 8192>}, {transform_indices = @transform_5, window_bounds = array<i64: 2048, 1>}]} {
    %eq3A = arith.constant 0 : i32
    %eq3A_0 = arith.cmpi eq, %arg1, %eq3A : i32
    %convert_element_type3A = arith.extui %eq3A_0 : i1 to i32
    %cond3A = arith.constant 0 : i32
    %cond3A_1 = arith.cmpi ne, %convert_element_type3A, %cond3A : i32
    scf.if %cond3A_1 {
      %broadcast_in_dim3A_514 = arith.constant 0x7F800000 : f32
      %broadcast_in_dim3A_515 = vector.broadcast %broadcast_in_dim3A_514 : f32 to vector<2048x1xf32>
      %swap3A_516 = arith.constant 0 : index
      %swap3A_517 = arith.constant 0 : index
      %swap3A_518 = vector.load %arg8[%swap3A_516, %swap3A_517] : memref<2048x1xf32, #tpu.memory_space<vmem>>, vector<2048x1xf32>
      tpu.vector_store %arg8[%swap3A_516, %swap3A_517], %broadcast_in_dim3A_515 {strides = array<i32>} : memref<2048x1xf32, #tpu.memory_space<vmem>>, vector<2048x1xf32>,
      %broadcast_in_dim3A_519 = arith.constant 0.000000e+00 : f32
      %broadcast_in_dim3A_520 = vector.broadcast %broadcast_in_dim3A_519 : f32 to vector<2048x1xf32>
      %swap3A_521 = arith.constant 0 : index
      %swap3A_522 = arith.constant 0 : index
      %swap3A_523 = vector.load %arg9[%swap3A_521, %swap3A_522] : memref<2048x1xf32, #tpu.memory_space<vmem>>, vector<2048x1xf32>
      tpu.vector_store %arg9[%swap3A_521, %swap3A_522], %broadcast_in_dim3A_520 {strides = array<i32>} : memref<2048x1xf32, #tpu.memory_space<vmem>>, vector<2048x1xf32>,
    } else {
    }
    %get3A = arith.constant 0 : index
    %get3A_2 = arith.constant 0 : index
    %get3A_3 = vector.load %arg2[%get3A, %get3A_2] : memref<2048x256xf32, #tpu.memory_space<vmem>>, vector<2048x256xf32>
    %mul3A = arith.constant -2.000000e+00 : f32
    %mul3A_4 = vector.broadcast %mul3A : f32 to vector<2048x256xf32>
    %mul3A_5 = arith.mulf %get3A_3, %mul3A_4 : vector<2048x256xf32>
    %get3A_6 = arith.constant 0 : index
    %get3A_7 = arith.constant 0 : index
    %get3A_8 = vector.load %arg4[%get3A_6, %get3A_7] : memref<2048x1xf32, #tpu.memory_space<vmem>>, vector<2048x1xf32>
    %get3A_9 = arith.constant 0 : index
    %get3A_10 = arith.constant 0 : index
    %get3A_11 = vector.load %arg8[%get3A_9, %get3A_10] : memref<2048x1xf32, #tpu.memory_space<vmem>>, vector<2048x1xf32>
    %get3A_12 = arith.constant 0 : index
    %get3A_13 = arith.constant 0 : index
    %get3A_14 = vector.load %arg9[%get3A_12, %get3A_13] : memref<2048x1xf32, #tpu.memory_space<vmem>>, vector<2048x1xf32>
    %get3A_15 = arith.constant 0 : index
    %get3A_16 = arith.constant 0 : index
    %get3A_17 = vector.load %arg3[%get3A_15, %get3A_16] : memref<8192x256xf32, #tpu.memory_space<vmem>>, vector<512x256xf32>
    %dot_general3A = arith.constant dense<0.000000e+00> : vector<2048x512xf32>
    %dot_general3A_18 = tpu.matmul %mul3A_5, %get3A_17, %dot_general3A {dimension_numbers = #tpu.dot_dimension_numbers<[1], [1], [0], [0], [0, 0, 1, 0], [], []>, transpose_lhs_hint = false} : vector<2048x256xf32>, vector<512x256xf32>, vector<2048x512xf32> -> vector<2048x512xf32>
    %add3A = vector.broadcast %get3A_8 : vector<2048x1xf32> to vector<2048x512xf32>
    %add3A_19 = arith.addf %add3A, %dot_general3A_18 : vector<2048x512xf32>
    %get3A_20 = arith.constant 0 : index
    %get3A_21 = arith.constant 0 : index
    %get3A_22 = vector.load %arg5[%get3A_20, %get3A_21] : memref<1x8192xf32, #tpu.memory_space<vmem>>, vector<1x512xf32>
    %add3A_23 = vector.broadcast %get3A_22 : vector<1x512xf32> to vector<2048x512xf32>
    %add3A_24 = arith.addf %add3A_19, %add3A_23 : vector<2048x512xf32>
    %reduce_min3A = arith.constant dense<0x7F800000> : vector<2048xf32>
    %reduce_min3A_25 = vector.multi_reduction <minimumf>, %add3A_24, %reduce_min3A [1] : vector<2048x512xf32> to vector<2048xf32>
    %broadcast_in_dim3A = vector.shape_cast %reduce_min3A_25 : vector<2048xf32> to vector<2048x1xf32>
    %eq3A_26 = vector.broadcast %broadcast_in_dim3A : vector<2048x1xf32> to vector<2048x512xf32>
    %eq3A_27 = arith.cmpf oeq, %add3A_24, %eq3A_26 : vector<2048x512xf32>
    %get3A_28 = arith.constant 0 : index
    %get3A_29 = arith.constant 0 : index
    %get3A_30 = vector.load %arg6[%get3A_28, %get3A_29] : memref<1x8192xf32, #tpu.memory_space<vmem>>, vector<1x512xf32>
    %jit3A = arith.constant 8.192000e+03 : f32
    %broadcast_in_dim3A_31 = vector.shape_cast %get3A_30 : vector<1x512xf32> to vector<1x512xf32>
    %broadcast_in_dim3A_32 = vector.broadcast %broadcast_in_dim3A_31 : vector<1x512xf32> to vector<2048x512xf32>
    %broadcast_in_dim3A_33 = vector.broadcast %jit3A : f32 to vector<2048x512xf32>
    %select_n3A = arith.select %eq3A_27, %broadcast_in_dim3A_32, %broadcast_in_dim3A_33 : vector<2048x512xi1>, vector<2048x512xf32>
    %reduce_min3A_34 = arith.constant dense<0x7F800000> : vector<2048xf32>
    %reduce_min3A_35 = vector.multi_reduction <minimumf>, %select_n3A, %reduce_min3A_34 [1] : vector<2048x512xf32> to vector<2048xf32>
    %broadcast_in_dim3A_36 = vector.shape_cast %reduce_min3A_35 : vector<2048xf32> to vector<2048x1xf32>
    %lt3A = arith.cmpf olt, %broadcast_in_dim3A, %get3A_11 : vector<2048x1xf32>
    %select_n3A_37 = arith.select %lt3A, %broadcast_in_dim3A_36, %get3A_14 : vector<2048x1xi1>, vector<2048x1xf32>
    %select_n3A_38 = arith.select %lt3A, %broadcast_in_dim3A, %get3A_11 : vector<2048x1xi1>, vector<2048x1xf32>
    %get3A_39 = arith.constant 512 : index
    %get3A_40 = arith.constant 0 : index
    %get3A_41 = vector.load %arg3[%get3A_39, %get3A_40] : memref<8192x256xf32, #tpu.memory_space<vmem>>, vector<512x256xf32>
    %dot_general3A_42 = arith.constant dense<0.000000e+00> : vector<2048x512xf32>
    %dot_general3A_43 = tpu.matmul %mul3A_5, %get3A_41, %dot_general3A_42 {dimension_numbers = #tpu.dot_dimension_numbers<[1], [1], [0], [0], [0, 0, 1, 0], [], []>, transpose_lhs_hint = false} : vector<2048x256xf32>, vector<512x256xf32>, vector<2048x512xf32> -> vector<2048x512xf32>
    %add3A_44 = vector.broadcast %get3A_8 : vector<2048x1xf32> to vector<2048x512xf32>
    %add3A_45 = arith.addf %add3A_44, %dot_general3A_43 : vector<2048x512xf32>
    %get3A_46 = arith.constant 0 : index
    %get3A_47 = arith.constant 512 : index
    %get3A_48 = vector.load %arg5[%get3A_46, %get3A_47] : memref<1x8192xf32, #tpu.memory_space<vmem>>, vector<1x512xf32>
    %add3A_49 = vector.broadcast %get3A_48 : vector<1x512xf32> to vector<2048x512xf32>
    %add3A_50 = arith.addf %add3A_45, %add3A_49 : vector<2048x512xf32>
    %reduce_min3A_51 = arith.constant dense<0x7F800000> : vector<2048xf32>
    %reduce_min3A_52 = vector.multi_reduction <minimumf>, %add3A_50, %reduce_min3A_51 [1] : vector<2048x512xf32> to vector<2048xf32>
    %broadcast_in_dim3A_53 = vector.shape_cast %reduce_min3A_52 : vector<2048xf32> to vector<2048x1xf32>
    %eq3A_54 = vector.broadcast %broadcast_in_dim3A_53 : vector<2048x1xf32> to vector<2048x512xf32>
    %eq3A_55 = arith.cmpf oeq, %add3A_50, %eq3A_54 : vector<2048x512xf32>
    %get3A_56 = arith.constant 0 : index
    %get3A_57 = arith.constant 512 : index
    %get3A_58 = vector.load %arg6[%get3A_56, %get3A_57] : memref<1x8192xf32, #tpu.memory_space<vmem>>, vector<1x512xf32>
    %jit3A_59 = arith.constant 8.192000e+03 : f32
    %broadcast_in_dim3A_60 = vector.shape_cast %get3A_58 : vector<1x512xf32> to vector<1x512xf32>
    %broadcast_in_dim3A_61 = vector.broadcast %broadcast_in_dim3A_60 : vector<1x512xf32> to vector<2048x512xf32>
    %broadcast_in_dim3A_62 = vector.broadcast %jit3A_59 : f32 to vector<2048x512xf32>
    %select_n3A_63 = arith.select %eq3A_55, %broadcast_in_dim3A_61, %broadcast_in_dim3A_62 : vector<2048x512xi1>, vector<2048x512xf32>
    %reduce_min3A_64 = arith.constant dense<0x7F800000> : vector<2048xf32>
    %reduce_min3A_65 = vector.multi_reduction <minimumf>, %select_n3A_63, %reduce_min3A_64 [1] : vector<2048x512xf32> to vector<2048xf32>
    %broadcast_in_dim3A_66 = vector.shape_cast %reduce_min3A_65 : vector<2048xf32> to vector<2048x1xf32>
    %lt3A_67 = arith.cmpf olt, %broadcast_in_dim3A_53, %select_n3A_38 : vector<2048x1xf32>
    %select_n3A_68 = arith.select %lt3A_67, %broadcast_in_dim3A_66, %select_n3A_37 : vector<2048x1xi1>, vector<2048x1xf32>
    %select_n3A_69 = arith.select %lt3A_67, %broadcast_in_dim3A_53, %select_n3A_38 : vector<2048x1xi1>, vector<2048x1xf32>
    %get3A_70 = arith.constant 1024 : index
    %get3A_71 = arith.constant 0 : index
    %get3A_72 = vector.load %arg3[%get3A_70, %get3A_71] : memref<8192x256xf32, #tpu.memory_space<vmem>>, vector<512x256xf32>
    %dot_general3A_73 = arith.constant dense<0.000000e+00> : vector<2048x512xf32>
    %dot_general3A_74 = tpu.matmul %mul3A_5, %get3A_72, %dot_general3A_73 {dimension_numbers = #tpu.dot_dimension_numbers<[1], [1], [0], [0], [0, 0, 1, 0], [], []>, transpose_lhs_hint = false} : vector<2048x256xf32>, vector<512x256xf32>, vector<2048x512xf32> -> vector<2048x512xf32>
    %add3A_75 = vector.broadcast %get3A_8 : vector<2048x1xf32> to vector<2048x512xf32>
    %add3A_76 = arith.addf %add3A_75, %dot_general3A_74 : vector<2048x512xf32>
    %get3A_77 = arith.constant 0 : index
    %get3A_78 = arith.constant 1024 : index
    %get3A_79 = vector.load %arg5[%get3A_77, %get3A_78] : memref<1x8192xf32, #tpu.memory_space<vmem>>, vector<1x512xf32>
    %add3A_80 = vector.broadcast %get3A_79 : vector<1x512xf32> to vector<2048x512xf32>
    %add3A_81 = arith.addf %add3A_76, %add3A_80 : vector<2048x512xf32>
    %reduce_min3A_82 = arith.constant dense<0x7F800000> : vector<2048xf32>
    %reduce_min3A_83 = vector.multi_reduction <minimumf>, %add3A_81, %reduce_min3A_82 [1] : vector<2048x512xf32> to vector<2048xf32>
    %broadcast_in_dim3A_84 = vector.shape_cast %reduce_min3A_83 : vector<2048xf32> to vector<2048x1xf32>
    %eq3A_85 = vector.broadcast %broadcast_in_dim3A_84 : vector<2048x1xf32> to vector<2048x512xf32>
    %eq3A_86 = arith.cmpf oeq, %add3A_81, %eq3A_85 : vector<2048x512xf32>
    %get3A_87 = arith.constant 0 : index
    %get3A_88 = arith.constant 1024 : index
    %get3A_89 = vector.load %arg6[%get3A_87, %get3A_88] : memref<1x8192xf32, #tpu.memory_space<vmem>>, vector<1x512xf32>
    %jit3A_90 = arith.constant 8.192000e+03 : f32
    %broadcast_in_dim3A_91 = vector.shape_cast %get3A_89 : vector<1x512xf32> to vector<1x512xf32>
    %broadcast_in_dim3A_92 = vector.broadcast %broadcast_in_dim3A_91 : vector<1x512xf32> to vector<2048x512xf32>
    %broadcast_in_dim3A_93 = vector.broadcast %jit3A_90 : f32 to vector<2048x512xf32>
    %select_n3A_94 = arith.select %eq3A_86, %broadcast_in_dim3A_92, %broadcast_in_dim3A_93 : vector<2048x512xi1>, vector<2048x512xf32>
    %reduce_min3A_95 = arith.constant dense<0x7F800000> : vector<2048xf32>
    %reduce_min3A_96 = vector.multi_reduction <minimumf>, %select_n3A_94, %reduce_min3A_95 [1] : vector<2048x512xf32> to vector<2048xf32>
    %broadcast_in_dim3A_97 = vector.shape_cast %reduce_min3A_96 : vector<2048xf32> to vector<2048x1xf32>
    %lt3A_98 = arith.cmpf olt, %broadcast_in_dim3A_84, %select_n3A_69 : vector<2048x1xf32>
    %select_n3A_99 = arith.select %lt3A_98, %broadcast_in_dim3A_97, %select_n3A_68 : vector<2048x1xi1>, vector<2048x1xf32>
    %select_n3A_100 = arith.select %lt3A_98, %broadcast_in_dim3A_84, %select_n3A_69 : vector<2048x1xi1>, vector<2048x1xf32>
    %get3A_101 = arith.constant 1536 : index
    %get3A_102 = arith.constant 0 : index
    %get3A_103 = vector.load %arg3[%get3A_101, %get3A_102] : memref<8192x256xf32, #tpu.memory_space<vmem>>, vector<512x256xf32>
    %dot_general3A_104 = arith.constant dense<0.000000e+00> : vector<2048x512xf32>
    %dot_general3A_105 = tpu.matmul %mul3A_5, %get3A_103, %dot_general3A_104 {dimension_numbers = #tpu.dot_dimension_numbers<[1], [1], [0], [0], [0, 0, 1, 0], [], []>, transpose_lhs_hint = false} : vector<2048x256xf32>, vector<512x256xf32>, vector<2048x512xf32> -> vector<2048x512xf32>
    %add3A_106 = vector.broadcast %get3A_8 : vector<2048x1xf32> to vector<2048x512xf32>
    %add3A_107 = arith.addf %add3A_106, %dot_general3A_105 : vector<2048x512xf32>
    %get3A_108 = arith.constant 0 : index
    %get3A_109 = arith.constant 1536 : index
    %get3A_110 = vector.load %arg5[%get3A_108, %get3A_109] : memref<1x8192xf32, #tpu.memory_space<vmem>>, vector<1x512xf32>
    %add3A_111 = vector.broadcast %get3A_110 : vector<1x512xf32> to vector<2048x512xf32>
    %add3A_112 = arith.addf %add3A_107, %add3A_111 : vector<2048x512xf32>
    %reduce_min3A_113 = arith.constant dense<0x7F800000> : vector<2048xf32>
    %reduce_min3A_114 = vector.multi_reduction <minimumf>, %add3A_112, %reduce_min3A_113 [1] : vector<2048x512xf32> to vector<2048xf32>
    %broadcast_in_dim3A_115 = vector.shape_cast %reduce_min3A_114 : vector<2048xf32> to vector<2048x1xf32>
    %eq3A_116 = vector.broadcast %broadcast_in_dim3A_115 : vector<2048x1xf32> to vector<2048x512xf32>
    %eq3A_117 = arith.cmpf oeq, %add3A_112, %eq3A_116 : vector<2048x512xf32>
    %get3A_118 = arith.constant 0 : index
    %get3A_119 = arith.constant 1536 : index
    %get3A_120 = vector.load %arg6[%get3A_118, %get3A_119] : memref<1x8192xf32, #tpu.memory_space<vmem>>, vector<1x512xf32>
    %jit3A_121 = arith.constant 8.192000e+03 : f32
    %broadcast_in_dim3A_122 = vector.shape_cast %get3A_120 : vector<1x512xf32> to vector<1x512xf32>
    %broadcast_in_dim3A_123 = vector.broadcast %broadcast_in_dim3A_122 : vector<1x512xf32> to vector<2048x512xf32>
    %broadcast_in_dim3A_124 = vector.broadcast %jit3A_121 : f32 to vector<2048x512xf32>
    %select_n3A_125 = arith.select %eq3A_117, %broadcast_in_dim3A_123, %broadcast_in_dim3A_124 : vector<2048x512xi1>, vector<2048x512xf32>
    %reduce_min3A_126 = arith.constant dense<0x7F800000> : vector<2048xf32>
    %reduce_min3A_127 = vector.multi_reduction <minimumf>, %select_n3A_125, %reduce_min3A_126 [1] : vector<2048x512xf32> to vector<2048xf32>
    %broadcast_in_dim3A_128 = vector.shape_cast %reduce_min3A_127 : vector<2048xf32> to vector<2048x1xf32>
    %lt3A_129 = arith.cmpf olt, %broadcast_in_dim3A_115, %select_n3A_100 : vector<2048x1xf32>
    %select_n3A_130 = arith.select %lt3A_129, %broadcast_in_dim3A_128, %select_n3A_99 : vector<2048x1xi1>, vector<2048x1xf32>
    %select_n3A_131 = arith.select %lt3A_129, %broadcast_in_dim3A_115, %select_n3A_100 : vector<2048x1xi1>, vector<2048x1xf32>
    %get3A_132 = arith.constant 2048 : index
    %get3A_133 = arith.constant 0 : index
    %get3A_134 = vector.load %arg3[%get3A_132, %get3A_133] : memref<8192x256xf32, #tpu.memory_space<vmem>>, vector<512x256xf32>
    %dot_general3A_135 = arith.constant dense<0.000000e+00> : vector<2048x512xf32>
    %dot_general3A_136 = tpu.matmul %mul3A_5, %get3A_134, %dot_general3A_135 {dimension_numbers = #tpu.dot_dimension_numbers<[1], [1], [0], [0], [0, 0, 1, 0], [], []>, transpose_lhs_hint = false} : vector<2048x256xf32>, vector<512x256xf32>, vector<2048x512xf32> -> vector<2048x512xf32>
    %add3A_137 = vector.broadcast %get3A_8 : vector<2048x1xf32> to vector<2048x512xf32>
    %add3A_138 = arith.addf %add3A_137, %dot_general3A_136 : vector<2048x512xf32>
    %get3A_139 = arith.constant 0 : index
    %get3A_140 = arith.constant 2048 : index
    %get3A_141 = vector.load %arg5[%get3A_139, %get3A_140] : memref<1x8192xf32, #tpu.memory_space<vmem>>, vector<1x512xf32>
    %add3A_142 = vector.broadcast %get3A_141 : vector<1x512xf32> to vector<2048x512xf32>
    %add3A_143 = arith.addf %add3A_138, %add3A_142 : vector<2048x512xf32>
    %reduce_min3A_144 = arith.constant dense<0x7F800000> : vector<2048xf32>
    %reduce_min3A_145 = vector.multi_reduction <minimumf>, %add3A_143, %reduce_min3A_144 [1] : vector<2048x512xf32> to vector<2048xf32>
    %broadcast_in_dim3A_146 = vector.shape_cast %reduce_min3A_145 : vector<2048xf32> to vector<2048x1xf32>
    %eq3A_147 = vector.broadcast %broadcast_in_dim3A_146 : vector<2048x1xf32> to vector<2048x512xf32>
    %eq3A_148 = arith.cmpf oeq, %add3A_143, %eq3A_147 : vector<2048x512xf32>
    %get3A_149 = arith.constant 0 : index
    %get3A_150 = arith.constant 2048 : index
    %get3A_151 = vector.load %arg6[%get3A_149, %get3A_150] : memref<1x8192xf32, #tpu.memory_space<vmem>>, vector<1x512xf32>
    %jit3A_152 = arith.constant 8.192000e+03 : f32
    %broadcast_in_dim3A_153 = vector.shape_cast %get3A_151 : vector<1x512xf32> to vector<1x512xf32>
    %broadcast_in_dim3A_154 = vector.broadcast %broadcast_in_dim3A_153 : vector<1x512xf32> to vector<2048x512xf32>
    %broadcast_in_dim3A_155 = vector.broadcast %jit3A_152 : f32 to vector<2048x512xf32>
    %select_n3A_156 = arith.select %eq3A_148, %broadcast_in_dim3A_154, %broadcast_in_dim3A_155 : vector<2048x512xi1>, vector<2048x512xf32>
    %reduce_min3A_157 = arith.constant dense<0x7F800000> : vector<2048xf32>
    %reduce_min3A_158 = vector.multi_reduction <minimumf>, %select_n3A_156, %reduce_min3A_157 [1] : vector<2048x512xf32> to vector<2048xf32>
    %broadcast_in_dim3A_159 = vector.shape_cast %reduce_min3A_158 : vector<2048xf32> to vector<2048x1xf32>
    %lt3A_160 = arith.cmpf olt, %broadcast_in_dim3A_146, %select_n3A_131 : vector<2048x1xf32>
    %select_n3A_161 = arith.select %lt3A_160, %broadcast_in_dim3A_159, %select_n3A_130 : vector<2048x1xi1>, vector<2048x1xf32>
    %select_n3A_162 = arith.select %lt3A_160, %broadcast_in_dim3A_146, %select_n3A_131 : vector<2048x1xi1>, vector<2048x1xf32>
    %get3A_163 = arith.constant 2560 : index
    %get3A_164 = arith.constant 0 : index
    %get3A_165 = vector.load %arg3[%get3A_163, %get3A_164] : memref<8192x256xf32, #tpu.memory_space<vmem>>, vector<512x256xf32>
    %dot_general3A_166 = arith.constant dense<0.000000e+00> : vector<2048x512xf32>
    %dot_general3A_167 = tpu.matmul %mul3A_5, %get3A_165, %dot_general3A_166 {dimension_numbers = #tpu.dot_dimension_numbers<[1], [1], [0], [0], [0, 0, 1, 0], [], []>, transpose_lhs_hint = false} : vector<2048x256xf32>, vector<512x256xf32>, vector<2048x512xf32> -> vector<2048x512xf32>
    %add3A_168 = vector.broadcast %get3A_8 : vector<2048x1xf32> to vector<2048x512xf32>
    %add3A_169 = arith.addf %add3A_168, %dot_general3A_167 : vector<2048x512xf32>
    %get3A_170 = arith.constant 0 : index
    %get3A_171 = arith.constant 2560 : index
    %get3A_172 = vector.load %arg5[%get3A_170, %get3A_171] : memref<1x8192xf32, #tpu.memory_space<vmem>>, vector<1x512xf32>
    %add3A_173 = vector.broadcast %get3A_172 : vector<1x512xf32> to vector<2048x512xf32>
    %add3A_174 = arith.addf %add3A_169, %add3A_173 : vector<2048x512xf32>
    %reduce_min3A_175 = arith.constant dense<0x7F800000> : vector<2048xf32>
    %reduce_min3A_176 = vector.multi_reduction <minimumf>, %add3A_174, %reduce_min3A_175 [1] : vector<2048x512xf32> to vector<2048xf32>
    %broadcast_in_dim3A_177 = vector.shape_cast %reduce_min3A_176 : vector<2048xf32> to vector<2048x1xf32>
    %eq3A_178 = vector.broadcast %broadcast_in_dim3A_177 : vector<2048x1xf32> to vector<2048x512xf32>
    %eq3A_179 = arith.cmpf oeq, %add3A_174, %eq3A_178 : vector<2048x512xf32>
    %get3A_180 = arith.constant 0 : index
    %get3A_181 = arith.constant 2560 : index
    %get3A_182 = vector.load %arg6[%get3A_180, %get3A_181] : memref<1x8192xf32, #tpu.memory_space<vmem>>, vector<1x512xf32>
    %jit3A_183 = arith.constant 8.192000e+03 : f32
    %broadcast_in_dim3A_184 = vector.shape_cast %get3A_182 : vector<1x512xf32> to vector<1x512xf32>
    %broadcast_in_dim3A_185 = vector.broadcast %broadcast_in_dim3A_184 : vector<1x512xf32> to vector<2048x512xf32>
    %broadcast_in_dim3A_186 = vector.broadcast %jit3A_183 : f32 to vector<2048x512xf32>
    %select_n3A_187 = arith.select %eq3A_179, %broadcast_in_dim3A_185, %broadcast_in_dim3A_186 : vector<2048x512xi1>, vector<2048x512xf32>
    %reduce_min3A_188 = arith.constant dense<0x7F800000> : vector<2048xf32>
    %reduce_min3A_189 = vector.multi_reduction <minimumf>, %select_n3A_187, %reduce_min3A_188 [1] : vector<2048x512xf32> to vector<2048xf32>
    %broadcast_in_dim3A_190 = vector.shape_cast %reduce_min3A_189 : vector<2048xf32> to vector<2048x1xf32>
    %lt3A_191 = arith.cmpf olt, %broadcast_in_dim3A_177, %select_n3A_162 : vector<2048x1xf32>
    %select_n3A_192 = arith.select %lt3A_191, %broadcast_in_dim3A_190, %select_n3A_161 : vector<2048x1xi1>, vector<2048x1xf32>
    %select_n3A_193 = arith.select %lt3A_191, %broadcast_in_dim3A_177, %select_n3A_162 : vector<2048x1xi1>, vector<2048x1xf32>
    %get3A_194 = arith.constant 3072 : index
    %get3A_195 = arith.constant 0 : index
    %get3A_196 = vector.load %arg3[%get3A_194, %get3A_195] : memref<8192x256xf32, #tpu.memory_space<vmem>>, vector<512x256xf32>
    %dot_general3A_197 = arith.constant dense<0.000000e+00> : vector<2048x512xf32>
    %dot_general3A_198 = tpu.matmul %mul3A_5, %get3A_196, %dot_general3A_197 {dimension_numbers = #tpu.dot_dimension_numbers<[1], [1], [0], [0], [0, 0, 1, 0], [], []>, transpose_lhs_hint = false} : vector<2048x256xf32>, vector<512x256xf32>, vector<2048x512xf32> -> vector<2048x512xf32>
    %add3A_199 = vector.broadcast %get3A_8 : vector<2048x1xf32> to vector<2048x512xf32>
    %add3A_200 = arith.addf %add3A_199, %dot_general3A_198 : vector<2048x512xf32>
    %get3A_201 = arith.constant 0 : index
    %get3A_202 = arith.constant 3072 : index
    %get3A_203 = vector.load %arg5[%get3A_201, %get3A_202] : memref<1x8192xf32, #tpu.memory_space<vmem>>, vector<1x512xf32>
    %add3A_204 = vector.broadcast %get3A_203 : vector<1x512xf32> to vector<2048x512xf32>
    %add3A_205 = arith.addf %add3A_200, %add3A_204 : vector<2048x512xf32>
    %reduce_min3A_206 = arith.constant dense<0x7F800000> : vector<2048xf32>
    %reduce_min3A_207 = vector.multi_reduction <minimumf>, %add3A_205, %reduce_min3A_206 [1] : vector<2048x512xf32> to vector<2048xf32>
    %broadcast_in_dim3A_208 = vector.shape_cast %reduce_min3A_207 : vector<2048xf32> to vector<2048x1xf32>
    %eq3A_209 = vector.broadcast %broadcast_in_dim3A_208 : vector<2048x1xf32> to vector<2048x512xf32>
    %eq3A_210 = arith.cmpf oeq, %add3A_205, %eq3A_209 : vector<2048x512xf32>
    %get3A_211 = arith.constant 0 : index
    %get3A_212 = arith.constant 3072 : index
    %get3A_213 = vector.load %arg6[%get3A_211, %get3A_212] : memref<1x8192xf32, #tpu.memory_space<vmem>>, vector<1x512xf32>
    %jit3A_214 = arith.constant 8.192000e+03 : f32
    %broadcast_in_dim3A_215 = vector.shape_cast %get3A_213 : vector<1x512xf32> to vector<1x512xf32>
    %broadcast_in_dim3A_216 = vector.broadcast %broadcast_in_dim3A_215 : vector<1x512xf32> to vector<2048x512xf32>
    %broadcast_in_dim3A_217 = vector.broadcast %jit3A_214 : f32 to vector<2048x512xf32>
    %select_n3A_218 = arith.select %eq3A_210, %broadcast_in_dim3A_216, %broadcast_in_dim3A_217 : vector<2048x512xi1>, vector<2048x512xf32>
    %reduce_min3A_219 = arith.constant dense<0x7F800000> : vector<2048xf32>
    %reduce_min3A_220 = vector.multi_reduction <minimumf>, %select_n3A_218, %reduce_min3A_219 [1] : vector<2048x512xf32> to vector<2048xf32>
    %broadcast_in_dim3A_221 = vector.shape_cast %reduce_min3A_220 : vector<2048xf32> to vector<2048x1xf32>
    %lt3A_222 = arith.cmpf olt, %broadcast_in_dim3A_208, %select_n3A_193 : vector<2048x1xf32>
    %select_n3A_223 = arith.select %lt3A_222, %broadcast_in_dim3A_221, %select_n3A_192 : vector<2048x1xi1>, vector<2048x1xf32>
    %select_n3A_224 = arith.select %lt3A_222, %broadcast_in_dim3A_208, %select_n3A_193 : vector<2048x1xi1>, vector<2048x1xf32>
    %get3A_225 = arith.constant 3584 : index
    %get3A_226 = arith.constant 0 : index
    %get3A_227 = vector.load %arg3[%get3A_225, %get3A_226] : memref<8192x256xf32, #tpu.memory_space<vmem>>, vector<512x256xf32>
    %dot_general3A_228 = arith.constant dense<0.000000e+00> : vector<2048x512xf32>
    %dot_general3A_229 = tpu.matmul %mul3A_5, %get3A_227, %dot_general3A_228 {dimension_numbers = #tpu.dot_dimension_numbers<[1], [1], [0], [0], [0, 0, 1, 0], [], []>, transpose_lhs_hint = false} : vector<2048x256xf32>, vector<512x256xf32>, vector<2048x512xf32> -> vector<2048x512xf32>
    %add3A_230 = vector.broadcast %get3A_8 : vector<2048x1xf32> to vector<2048x512xf32>
    %add3A_231 = arith.addf %add3A_230, %dot_general3A_229 : vector<2048x512xf32>
    %get3A_232 = arith.constant 0 : index
    %get3A_233 = arith.constant 3584 : index
    %get3A_234 = vector.load %arg5[%get3A_232, %get3A_233] : memref<1x8192xf32, #tpu.memory_space<vmem>>, vector<1x512xf32>
    %add3A_235 = vector.broadcast %get3A_234 : vector<1x512xf32> to vector<2048x512xf32>
    %add3A_236 = arith.addf %add3A_231, %add3A_235 : vector<2048x512xf32>
    %reduce_min3A_237 = arith.constant dense<0x7F800000> : vector<2048xf32>
    %reduce_min3A_238 = vector.multi_reduction <minimumf>, %add3A_236, %reduce_min3A_237 [1] : vector<2048x512xf32> to vector<2048xf32>
    %broadcast_in_dim3A_239 = vector.shape_cast %reduce_min3A_238 : vector<2048xf32> to vector<2048x1xf32>
    %eq3A_240 = vector.broadcast %broadcast_in_dim3A_239 : vector<2048x1xf32> to vector<2048x512xf32>
    %eq3A_241 = arith.cmpf oeq, %add3A_236, %eq3A_240 : vector<2048x512xf32>
    %get3A_242 = arith.constant 0 : index
    %get3A_243 = arith.constant 3584 : index
    %get3A_244 = vector.load %arg6[%get3A_242, %get3A_243] : memref<1x8192xf32, #tpu.memory_space<vmem>>, vector<1x512xf32>
    %jit3A_245 = arith.constant 8.192000e+03 : f32
    %broadcast_in_dim3A_246 = vector.shape_cast %get3A_244 : vector<1x512xf32> to vector<1x512xf32>
    %broadcast_in_dim3A_247 = vector.broadcast %broadcast_in_dim3A_246 : vector<1x512xf32> to vector<2048x512xf32>
    %broadcast_in_dim3A_248 = vector.broadcast %jit3A_245 : f32 to vector<2048x512xf32>
    %select_n3A_249 = arith.select %eq3A_241, %broadcast_in_dim3A_247, %broadcast_in_dim3A_248 : vector<2048x512xi1>, vector<2048x512xf32>
    %reduce_min3A_250 = arith.constant dense<0x7F800000> : vector<2048xf32>
    %reduce_min3A_251 = vector.multi_reduction <minimumf>, %select_n3A_249, %reduce_min3A_250 [1] : vector<2048x512xf32> to vector<2048xf32>
    %broadcast_in_dim3A_252 = vector.shape_cast %reduce_min3A_251 : vector<2048xf32> to vector<2048x1xf32>
    %lt3A_253 = arith.cmpf olt, %broadcast_in_dim3A_239, %select_n3A_224 : vector<2048x1xf32>
    %select_n3A_254 = arith.select %lt3A_253, %broadcast_in_dim3A_252, %select_n3A_223 : vector<2048x1xi1>, vector<2048x1xf32>
    %select_n3A_255 = arith.select %lt3A_253, %broadcast_in_dim3A_239, %select_n3A_224 : vector<2048x1xi1>, vector<2048x1xf32>
    %get3A_256 = arith.constant 4096 : index
    %get3A_257 = arith.constant 0 : index
    %get3A_258 = vector.load %arg3[%get3A_256, %get3A_257] : memref<8192x256xf32, #tpu.memory_space<vmem>>, vector<512x256xf32>
    %dot_general3A_259 = arith.constant dense<0.000000e+00> : vector<2048x512xf32>
    %dot_general3A_260 = tpu.matmul %mul3A_5, %get3A_258, %dot_general3A_259 {dimension_numbers = #tpu.dot_dimension_numbers<[1], [1], [0], [0], [0, 0, 1, 0], [], []>, transpose_lhs_hint = false} : vector<2048x256xf32>, vector<512x256xf32>, vector<2048x512xf32> -> vector<2048x512xf32>
    %add3A_261 = vector.broadcast %get3A_8 : vector<2048x1xf32> to vector<2048x512xf32>
    %add3A_262 = arith.addf %add3A_261, %dot_general3A_260 : vector<2048x512xf32>
    %get3A_263 = arith.constant 0 : index
    %get3A_264 = arith.constant 4096 : index
    %get3A_265 = vector.load %arg5[%get3A_263, %get3A_264] : memref<1x8192xf32, #tpu.memory_space<vmem>>, vector<1x512xf32>
    %add3A_266 = vector.broadcast %get3A_265 : vector<1x512xf32> to vector<2048x512xf32>
    %add3A_267 = arith.addf %add3A_262, %add3A_266 : vector<2048x512xf32>
    %reduce_min3A_268 = arith.constant dense<0x7F800000> : vector<2048xf32>
    %reduce_min3A_269 = vector.multi_reduction <minimumf>, %add3A_267, %reduce_min3A_268 [1] : vector<2048x512xf32> to vector<2048xf32>
    %broadcast_in_dim3A_270 = vector.shape_cast %reduce_min3A_269 : vector<2048xf32> to vector<2048x1xf32>
    %eq3A_271 = vector.broadcast %broadcast_in_dim3A_270 : vector<2048x1xf32> to vector<2048x512xf32>
    %eq3A_272 = arith.cmpf oeq, %add3A_267, %eq3A_271 : vector<2048x512xf32>
    %get3A_273 = arith.constant 0 : index
    %get3A_274 = arith.constant 4096 : index
    %get3A_275 = vector.load %arg6[%get3A_273, %get3A_274] : memref<1x8192xf32, #tpu.memory_space<vmem>>, vector<1x512xf32>
    %jit3A_276 = arith.constant 8.192000e+03 : f32
    %broadcast_in_dim3A_277 = vector.shape_cast %get3A_275 : vector<1x512xf32> to vector<1x512xf32>
    %broadcast_in_dim3A_278 = vector.broadcast %broadcast_in_dim3A_277 : vector<1x512xf32> to vector<2048x512xf32>
    %broadcast_in_dim3A_279 = vector.broadcast %jit3A_276 : f32 to vector<2048x512xf32>
    %select_n3A_280 = arith.select %eq3A_272, %broadcast_in_dim3A_278, %broadcast_in_dim3A_279 : vector<2048x512xi1>, vector<2048x512xf32>
    %reduce_min3A_281 = arith.constant dense<0x7F800000> : vector<2048xf32>
    %reduce_min3A_282 = vector.multi_reduction <minimumf>, %select_n3A_280, %reduce_min3A_281 [1] : vector<2048x512xf32> to vector<2048xf32>
    %broadcast_in_dim3A_283 = vector.shape_cast %reduce_min3A_282 : vector<2048xf32> to vector<2048x1xf32>
    %lt3A_284 = arith.cmpf olt, %broadcast_in_dim3A_270, %select_n3A_255 : vector<2048x1xf32>
    %select_n3A_285 = arith.select %lt3A_284, %broadcast_in_dim3A_283, %select_n3A_254 : vector<2048x1xi1>, vector<2048x1xf32>
    %select_n3A_286 = arith.select %lt3A_284, %broadcast_in_dim3A_270, %select_n3A_255 : vector<2048x1xi1>, vector<2048x1xf32>
    %get3A_287 = arith.constant 4608 : index
    %get3A_288 = arith.constant 0 : index
    %get3A_289 = vector.load %arg3[%get3A_287, %get3A_288] : memref<8192x256xf32, #tpu.memory_space<vmem>>, vector<512x256xf32>
    %dot_general3A_290 = arith.constant dense<0.000000e+00> : vector<2048x512xf32>
    %dot_general3A_291 = tpu.matmul %mul3A_5, %get3A_289, %dot_general3A_290 {dimension_numbers = #tpu.dot_dimension_numbers<[1], [1], [0], [0], [0, 0, 1, 0], [], []>, transpose_lhs_hint = false} : vector<2048x256xf32>, vector<512x256xf32>, vector<2048x512xf32> -> vector<2048x512xf32>
    %add3A_292 = vector.broadcast %get3A_8 : vector<2048x1xf32> to vector<2048x512xf32>
    %add3A_293 = arith.addf %add3A_292, %dot_general3A_291 : vector<2048x512xf32>
    %get3A_294 = arith.constant 0 : index
    %get3A_295 = arith.constant 4608 : index
    %get3A_296 = vector.load %arg5[%get3A_294, %get3A_295] : memref<1x8192xf32, #tpu.memory_space<vmem>>, vector<1x512xf32>
    %add3A_297 = vector.broadcast %get3A_296 : vector<1x512xf32> to vector<2048x512xf32>
    %add3A_298 = arith.addf %add3A_293, %add3A_297 : vector<2048x512xf32>
    %reduce_min3A_299 = arith.constant dense<0x7F800000> : vector<2048xf32>
    %reduce_min3A_300 = vector.multi_reduction <minimumf>, %add3A_298, %reduce_min3A_299 [1] : vector<2048x512xf32> to vector<2048xf32>
    %broadcast_in_dim3A_301 = vector.shape_cast %reduce_min3A_300 : vector<2048xf32> to vector<2048x1xf32>
    %eq3A_302 = vector.broadcast %broadcast_in_dim3A_301 : vector<2048x1xf32> to vector<2048x512xf32>
    %eq3A_303 = arith.cmpf oeq, %add3A_298, %eq3A_302 : vector<2048x512xf32>
    %get3A_304 = arith.constant 0 : index
    %get3A_305 = arith.constant 4608 : index
    %get3A_306 = vector.load %arg6[%get3A_304, %get3A_305] : memref<1x8192xf32, #tpu.memory_space<vmem>>, vector<1x512xf32>
    %jit3A_307 = arith.constant 8.192000e+03 : f32
    %broadcast_in_dim3A_308 = vector.shape_cast %get3A_306 : vector<1x512xf32> to vector<1x512xf32>
    %broadcast_in_dim3A_309 = vector.broadcast %broadcast_in_dim3A_308 : vector<1x512xf32> to vector<2048x512xf32>
    %broadcast_in_dim3A_310 = vector.broadcast %jit3A_307 : f32 to vector<2048x512xf32>
    %select_n3A_311 = arith.select %eq3A_303, %broadcast_in_dim3A_309, %broadcast_in_dim3A_310 : vector<2048x512xi1>, vector<2048x512xf32>
    %reduce_min3A_312 = arith.constant dense<0x7F800000> : vector<2048xf32>
    %reduce_min3A_313 = vector.multi_reduction <minimumf>, %select_n3A_311, %reduce_min3A_312 [1] : vector<2048x512xf32> to vector<2048xf32>
    %broadcast_in_dim3A_314 = vector.shape_cast %reduce_min3A_313 : vector<2048xf32> to vector<2048x1xf32>
    %lt3A_315 = arith.cmpf olt, %broadcast_in_dim3A_301, %select_n3A_286 : vector<2048x1xf32>
    %select_n3A_316 = arith.select %lt3A_315, %broadcast_in_dim3A_314, %select_n3A_285 : vector<2048x1xi1>, vector<2048x1xf32>
    %select_n3A_317 = arith.select %lt3A_315, %broadcast_in_dim3A_301, %select_n3A_286 : vector<2048x1xi1>, vector<2048x1xf32>
    %get3A_318 = arith.constant 5120 : index
    %get3A_319 = arith.constant 0 : index
    %get3A_320 = vector.load %arg3[%get3A_318, %get3A_319] : memref<8192x256xf32, #tpu.memory_space<vmem>>, vector<512x256xf32>
    %dot_general3A_321 = arith.constant dense<0.000000e+00> : vector<2048x512xf32>
    %dot_general3A_322 = tpu.matmul %mul3A_5, %get3A_320, %dot_general3A_321 {dimension_numbers = #tpu.dot_dimension_numbers<[1], [1], [0], [0], [0, 0, 1, 0], [], []>, transpose_lhs_hint = false} : vector<2048x256xf32>, vector<512x256xf32>, vector<2048x512xf32> -> vector<2048x512xf32>
    %add3A_323 = vector.broadcast %get3A_8 : vector<2048x1xf32> to vector<2048x512xf32>
    %add3A_324 = arith.addf %add3A_323, %dot_general3A_322 : vector<2048x512xf32>
    %get3A_325 = arith.constant 0 : index
    %get3A_326 = arith.constant 5120 : index
    %get3A_327 = vector.load %arg5[%get3A_325, %get3A_326] : memref<1x8192xf32, #tpu.memory_space<vmem>>, vector<1x512xf32>
    %add3A_328 = vector.broadcast %get3A_327 : vector<1x512xf32> to vector<2048x512xf32>
    %add3A_329 = arith.addf %add3A_324, %add3A_328 : vector<2048x512xf32>
    %reduce_min3A_330 = arith.constant dense<0x7F800000> : vector<2048xf32>
    %reduce_min3A_331 = vector.multi_reduction <minimumf>, %add3A_329, %reduce_min3A_330 [1] : vector<2048x512xf32> to vector<2048xf32>
    %broadcast_in_dim3A_332 = vector.shape_cast %reduce_min3A_331 : vector<2048xf32> to vector<2048x1xf32>
    %eq3A_333 = vector.broadcast %broadcast_in_dim3A_332 : vector<2048x1xf32> to vector<2048x512xf32>
    %eq3A_334 = arith.cmpf oeq, %add3A_329, %eq3A_333 : vector<2048x512xf32>
    %get3A_335 = arith.constant 0 : index
    %get3A_336 = arith.constant 5120 : index
    %get3A_337 = vector.load %arg6[%get3A_335, %get3A_336] : memref<1x8192xf32, #tpu.memory_space<vmem>>, vector<1x512xf32>
    %jit3A_338 = arith.constant 8.192000e+03 : f32
    %broadcast_in_dim3A_339 = vector.shape_cast %get3A_337 : vector<1x512xf32> to vector<1x512xf32>
    %broadcast_in_dim3A_340 = vector.broadcast %broadcast_in_dim3A_339 : vector<1x512xf32> to vector<2048x512xf32>
    %broadcast_in_dim3A_341 = vector.broadcast %jit3A_338 : f32 to vector<2048x512xf32>
    %select_n3A_342 = arith.select %eq3A_334, %broadcast_in_dim3A_340, %broadcast_in_dim3A_341 : vector<2048x512xi1>, vector<2048x512xf32>
    %reduce_min3A_343 = arith.constant dense<0x7F800000> : vector<2048xf32>
    %reduce_min3A_344 = vector.multi_reduction <minimumf>, %select_n3A_342, %reduce_min3A_343 [1] : vector<2048x512xf32> to vector<2048xf32>
    %broadcast_in_dim3A_345 = vector.shape_cast %reduce_min3A_344 : vector<2048xf32> to vector<2048x1xf32>
    %lt3A_346 = arith.cmpf olt, %broadcast_in_dim3A_332, %select_n3A_317 : vector<2048x1xf32>
    %select_n3A_347 = arith.select %lt3A_346, %broadcast_in_dim3A_345, %select_n3A_316 : vector<2048x1xi1>, vector<2048x1xf32>
    %select_n3A_348 = arith.select %lt3A_346, %broadcast_in_dim3A_332, %select_n3A_317 : vector<2048x1xi1>, vector<2048x1xf32>
    %get3A_349 = arith.constant 5632 : index
    %get3A_350 = arith.constant 0 : index
    %get3A_351 = vector.load %arg3[%get3A_349, %get3A_350] : memref<8192x256xf32, #tpu.memory_space<vmem>>, vector<512x256xf32>
    %dot_general3A_352 = arith.constant dense<0.000000e+00> : vector<2048x512xf32>
    %dot_general3A_353 = tpu.matmul %mul3A_5, %get3A_351, %dot_general3A_352 {dimension_numbers = #tpu.dot_dimension_numbers<[1], [1], [0], [0], [0, 0, 1, 0], [], []>, transpose_lhs_hint = false} : vector<2048x256xf32>, vector<512x256xf32>, vector<2048x512xf32> -> vector<2048x512xf32>
    %add3A_354 = vector.broadcast %get3A_8 : vector<2048x1xf32> to vector<2048x512xf32>
    %add3A_355 = arith.addf %add3A_354, %dot_general3A_353 : vector<2048x512xf32>
    %get3A_356 = arith.constant 0 : index
    %get3A_357 = arith.constant 5632 : index
    %get3A_358 = vector.load %arg5[%get3A_356, %get3A_357] : memref<1x8192xf32, #tpu.memory_space<vmem>>, vector<1x512xf32>
    %add3A_359 = vector.broadcast %get3A_358 : vector<1x512xf32> to vector<2048x512xf32>
    %add3A_360 = arith.addf %add3A_355, %add3A_359 : vector<2048x512xf32>
    %reduce_min3A_361 = arith.constant dense<0x7F800000> : vector<2048xf32>
    %reduce_min3A_362 = vector.multi_reduction <minimumf>, %add3A_360, %reduce_min3A_361 [1] : vector<2048x512xf32> to vector<2048xf32>
    %broadcast_in_dim3A_363 = vector.shape_cast %reduce_min3A_362 : vector<2048xf32> to vector<2048x1xf32>
    %eq3A_364 = vector.broadcast %broadcast_in_dim3A_363 : vector<2048x1xf32> to vector<2048x512xf32>
    %eq3A_365 = arith.cmpf oeq, %add3A_360, %eq3A_364 : vector<2048x512xf32>
    %get3A_366 = arith.constant 0 : index
    %get3A_367 = arith.constant 5632 : index
    %get3A_368 = vector.load %arg6[%get3A_366, %get3A_367] : memref<1x8192xf32, #tpu.memory_space<vmem>>, vector<1x512xf32>
    %jit3A_369 = arith.constant 8.192000e+03 : f32
    %broadcast_in_dim3A_370 = vector.shape_cast %get3A_368 : vector<1x512xf32> to vector<1x512xf32>
    %broadcast_in_dim3A_371 = vector.broadcast %broadcast_in_dim3A_370 : vector<1x512xf32> to vector<2048x512xf32>
    %broadcast_in_dim3A_372 = vector.broadcast %jit3A_369 : f32 to vector<2048x512xf32>
    %select_n3A_373 = arith.select %eq3A_365, %broadcast_in_dim3A_371, %broadcast_in_dim3A_372 : vector<2048x512xi1>, vector<2048x512xf32>
    %reduce_min3A_374 = arith.constant dense<0x7F800000> : vector<2048xf32>
    %reduce_min3A_375 = vector.multi_reduction <minimumf>, %select_n3A_373, %reduce_min3A_374 [1] : vector<2048x512xf32> to vector<2048xf32>
    %broadcast_in_dim3A_376 = vector.shape_cast %reduce_min3A_375 : vector<2048xf32> to vector<2048x1xf32>
    %lt3A_377 = arith.cmpf olt, %broadcast_in_dim3A_363, %select_n3A_348 : vector<2048x1xf32>
    %select_n3A_378 = arith.select %lt3A_377, %broadcast_in_dim3A_376, %select_n3A_347 : vector<2048x1xi1>, vector<2048x1xf32>
    %select_n3A_379 = arith.select %lt3A_377, %broadcast_in_dim3A_363, %select_n3A_348 : vector<2048x1xi1>, vector<2048x1xf32>
    %get3A_380 = arith.constant 6144 : index
    %get3A_381 = arith.constant 0 : index
    %get3A_382 = vector.load %arg3[%get3A_380, %get3A_381] : memref<8192x256xf32, #tpu.memory_space<vmem>>, vector<512x256xf32>
    %dot_general3A_383 = arith.constant dense<0.000000e+00> : vector<2048x512xf32>
    %dot_general3A_384 = tpu.matmul %mul3A_5, %get3A_382, %dot_general3A_383 {dimension_numbers = #tpu.dot_dimension_numbers<[1], [1], [0], [0], [0, 0, 1, 0], [], []>, transpose_lhs_hint = false} : vector<2048x256xf32>, vector<512x256xf32>, vector<2048x512xf32> -> vector<2048x512xf32>
    %add3A_385 = vector.broadcast %get3A_8 : vector<2048x1xf32> to vector<2048x512xf32>
    %add3A_386 = arith.addf %add3A_385, %dot_general3A_384 : vector<2048x512xf32>
    %get3A_387 = arith.constant 0 : index
    %get3A_388 = arith.constant 6144 : index
    %get3A_389 = vector.load %arg5[%get3A_387, %get3A_388] : memref<1x8192xf32, #tpu.memory_space<vmem>>, vector<1x512xf32>
    %add3A_390 = vector.broadcast %get3A_389 : vector<1x512xf32> to vector<2048x512xf32>
    %add3A_391 = arith.addf %add3A_386, %add3A_390 : vector<2048x512xf32>
    %reduce_min3A_392 = arith.constant dense<0x7F800000> : vector<2048xf32>
    %reduce_min3A_393 = vector.multi_reduction <minimumf>, %add3A_391, %reduce_min3A_392 [1] : vector<2048x512xf32> to vector<2048xf32>
    %broadcast_in_dim3A_394 = vector.shape_cast %reduce_min3A_393 : vector<2048xf32> to vector<2048x1xf32>
    %eq3A_395 = vector.broadcast %broadcast_in_dim3A_394 : vector<2048x1xf32> to vector<2048x512xf32>
    %eq3A_396 = arith.cmpf oeq, %add3A_391, %eq3A_395 : vector<2048x512xf32>
    %get3A_397 = arith.constant 0 : index
    %get3A_398 = arith.constant 6144 : index
    %get3A_399 = vector.load %arg6[%get3A_397, %get3A_398] : memref<1x8192xf32, #tpu.memory_space<vmem>>, vector<1x512xf32>
    %jit3A_400 = arith.constant 8.192000e+03 : f32
    %broadcast_in_dim3A_401 = vector.shape_cast %get3A_399 : vector<1x512xf32> to vector<1x512xf32>
    %broadcast_in_dim3A_402 = vector.broadcast %broadcast_in_dim3A_401 : vector<1x512xf32> to vector<2048x512xf32>
    %broadcast_in_dim3A_403 = vector.broadcast %jit3A_400 : f32 to vector<2048x512xf32>
    %select_n3A_404 = arith.select %eq3A_396, %broadcast_in_dim3A_402, %broadcast_in_dim3A_403 : vector<2048x512xi1>, vector<2048x512xf32>
    %reduce_min3A_405 = arith.constant dense<0x7F800000> : vector<2048xf32>
    %reduce_min3A_406 = vector.multi_reduction <minimumf>, %select_n3A_404, %reduce_min3A_405 [1] : vector<2048x512xf32> to vector<2048xf32>
    %broadcast_in_dim3A_407 = vector.shape_cast %reduce_min3A_406 : vector<2048xf32> to vector<2048x1xf32>
    %lt3A_408 = arith.cmpf olt, %broadcast_in_dim3A_394, %select_n3A_379 : vector<2048x1xf32>
    %select_n3A_409 = arith.select %lt3A_408, %broadcast_in_dim3A_407, %select_n3A_378 : vector<2048x1xi1>, vector<2048x1xf32>
    %select_n3A_410 = arith.select %lt3A_408, %broadcast_in_dim3A_394, %select_n3A_379 : vector<2048x1xi1>, vector<2048x1xf32>
    %get3A_411 = arith.constant 6656 : index
    %get3A_412 = arith.constant 0 : index
    %get3A_413 = vector.load %arg3[%get3A_411, %get3A_412] : memref<8192x256xf32, #tpu.memory_space<vmem>>, vector<512x256xf32>
    %dot_general3A_414 = arith.constant dense<0.000000e+00> : vector<2048x512xf32>
    %dot_general3A_415 = tpu.matmul %mul3A_5, %get3A_413, %dot_general3A_414 {dimension_numbers = #tpu.dot_dimension_numbers<[1], [1], [0], [0], [0, 0, 1, 0], [], []>, transpose_lhs_hint = false} : vector<2048x256xf32>, vector<512x256xf32>, vector<2048x512xf32> -> vector<2048x512xf32>
    %add3A_416 = vector.broadcast %get3A_8 : vector<2048x1xf32> to vector<2048x512xf32>
    %add3A_417 = arith.addf %add3A_416, %dot_general3A_415 : vector<2048x512xf32>
    %get3A_418 = arith.constant 0 : index
    %get3A_419 = arith.constant 6656 : index
    %get3A_420 = vector.load %arg5[%get3A_418, %get3A_419] : memref<1x8192xf32, #tpu.memory_space<vmem>>, vector<1x512xf32>
    %add3A_421 = vector.broadcast %get3A_420 : vector<1x512xf32> to vector<2048x512xf32>
    %add3A_422 = arith.addf %add3A_417, %add3A_421 : vector<2048x512xf32>
    %reduce_min3A_423 = arith.constant dense<0x7F800000> : vector<2048xf32>
    %reduce_min3A_424 = vector.multi_reduction <minimumf>, %add3A_422, %reduce_min3A_423 [1] : vector<2048x512xf32> to vector<2048xf32>
    %broadcast_in_dim3A_425 = vector.shape_cast %reduce_min3A_424 : vector<2048xf32> to vector<2048x1xf32>
    %eq3A_426 = vector.broadcast %broadcast_in_dim3A_425 : vector<2048x1xf32> to vector<2048x512xf32>
    %eq3A_427 = arith.cmpf oeq, %add3A_422, %eq3A_426 : vector<2048x512xf32>
    %get3A_428 = arith.constant 0 : index
    %get3A_429 = arith.constant 6656 : index
    %get3A_430 = vector.load %arg6[%get3A_428, %get3A_429] : memref<1x8192xf32, #tpu.memory_space<vmem>>, vector<1x512xf32>
    %jit3A_431 = arith.constant 8.192000e+03 : f32
    %broadcast_in_dim3A_432 = vector.shape_cast %get3A_430 : vector<1x512xf32> to vector<1x512xf32>
    %broadcast_in_dim3A_433 = vector.broadcast %broadcast_in_dim3A_432 : vector<1x512xf32> to vector<2048x512xf32>
    %broadcast_in_dim3A_434 = vector.broadcast %jit3A_431 : f32 to vector<2048x512xf32>
    %select_n3A_435 = arith.select %eq3A_427, %broadcast_in_dim3A_433, %broadcast_in_dim3A_434 : vector<2048x512xi1>, vector<2048x512xf32>
    %reduce_min3A_436 = arith.constant dense<0x7F800000> : vector<2048xf32>
    %reduce_min3A_437 = vector.multi_reduction <minimumf>, %select_n3A_435, %reduce_min3A_436 [1] : vector<2048x512xf32> to vector<2048xf32>
    %broadcast_in_dim3A_438 = vector.shape_cast %reduce_min3A_437 : vector<2048xf32> to vector<2048x1xf32>
    %lt3A_439 = arith.cmpf olt, %broadcast_in_dim3A_425, %select_n3A_410 : vector<2048x1xf32>
    %select_n3A_440 = arith.select %lt3A_439, %broadcast_in_dim3A_438, %select_n3A_409 : vector<2048x1xi1>, vector<2048x1xf32>
    %select_n3A_441 = arith.select %lt3A_439, %broadcast_in_dim3A_425, %select_n3A_410 : vector<2048x1xi1>, vector<2048x1xf32>
    %get3A_442 = arith.constant 7168 : index
    %get3A_443 = arith.constant 0 : index
    %get3A_444 = vector.load %arg3[%get3A_442, %get3A_443] : memref<8192x256xf32, #tpu.memory_space<vmem>>, vector<512x256xf32>
    %dot_general3A_445 = arith.constant dense<0.000000e+00> : vector<2048x512xf32>
    %dot_general3A_446 = tpu.matmul %mul3A_5, %get3A_444, %dot_general3A_445 {dimension_numbers = #tpu.dot_dimension_numbers<[1], [1], [0], [0], [0, 0, 1, 0], [], []>, transpose_lhs_hint = false} : vector<2048x256xf32>, vector<512x256xf32>, vector<2048x512xf32> -> vector<2048x512xf32>
    %add3A_447 = vector.broadcast %get3A_8 : vector<2048x1xf32> to vector<2048x512xf32>
    %add3A_448 = arith.addf %add3A_447, %dot_general3A_446 : vector<2048x512xf32>
    %get3A_449 = arith.constant 0 : index
    %get3A_450 = arith.constant 7168 : index
    %get3A_451 = vector.load %arg5[%get3A_449, %get3A_450] : memref<1x8192xf32, #tpu.memory_space<vmem>>, vector<1x512xf32>
    %add3A_452 = vector.broadcast %get3A_451 : vector<1x512xf32> to vector<2048x512xf32>
    %add3A_453 = arith.addf %add3A_448, %add3A_452 : vector<2048x512xf32>
    %reduce_min3A_454 = arith.constant dense<0x7F800000> : vector<2048xf32>
    %reduce_min3A_455 = vector.multi_reduction <minimumf>, %add3A_453, %reduce_min3A_454 [1] : vector<2048x512xf32> to vector<2048xf32>
    %broadcast_in_dim3A_456 = vector.shape_cast %reduce_min3A_455 : vector<2048xf32> to vector<2048x1xf32>
    %eq3A_457 = vector.broadcast %broadcast_in_dim3A_456 : vector<2048x1xf32> to vector<2048x512xf32>
    %eq3A_458 = arith.cmpf oeq, %add3A_453, %eq3A_457 : vector<2048x512xf32>
    %get3A_459 = arith.constant 0 : index
    %get3A_460 = arith.constant 7168 : index
    %get3A_461 = vector.load %arg6[%get3A_459, %get3A_460] : memref<1x8192xf32, #tpu.memory_space<vmem>>, vector<1x512xf32>
    %jit3A_462 = arith.constant 8.192000e+03 : f32
    %broadcast_in_dim3A_463 = vector.shape_cast %get3A_461 : vector<1x512xf32> to vector<1x512xf32>
    %broadcast_in_dim3A_464 = vector.broadcast %broadcast_in_dim3A_463 : vector<1x512xf32> to vector<2048x512xf32>
    %broadcast_in_dim3A_465 = vector.broadcast %jit3A_462 : f32 to vector<2048x512xf32>
    %select_n3A_466 = arith.select %eq3A_458, %broadcast_in_dim3A_464, %broadcast_in_dim3A_465 : vector<2048x512xi1>, vector<2048x512xf32>
    %reduce_min3A_467 = arith.constant dense<0x7F800000> : vector<2048xf32>
    %reduce_min3A_468 = vector.multi_reduction <minimumf>, %select_n3A_466, %reduce_min3A_467 [1] : vector<2048x512xf32> to vector<2048xf32>
    %broadcast_in_dim3A_469 = vector.shape_cast %reduce_min3A_468 : vector<2048xf32> to vector<2048x1xf32>
    %lt3A_470 = arith.cmpf olt, %broadcast_in_dim3A_456, %select_n3A_441 : vector<2048x1xf32>
    %select_n3A_471 = arith.select %lt3A_470, %broadcast_in_dim3A_469, %select_n3A_440 : vector<2048x1xi1>, vector<2048x1xf32>
    %select_n3A_472 = arith.select %lt3A_470, %broadcast_in_dim3A_456, %select_n3A_441 : vector<2048x1xi1>, vector<2048x1xf32>
    %get3A_473 = arith.constant 7680 : index
    %get3A_474 = arith.constant 0 : index
    %get3A_475 = vector.load %arg3[%get3A_473, %get3A_474] : memref<8192x256xf32, #tpu.memory_space<vmem>>, vector<512x256xf32>
    %dot_general3A_476 = arith.constant dense<0.000000e+00> : vector<2048x512xf32>
    %dot_general3A_477 = tpu.matmul %mul3A_5, %get3A_475, %dot_general3A_476 {dimension_numbers = #tpu.dot_dimension_numbers<[1], [1], [0], [0], [0, 0, 1, 0], [], []>, transpose_lhs_hint = false} : vector<2048x256xf32>, vector<512x256xf32>, vector<2048x512xf32> -> vector<2048x512xf32>
    %add3A_478 = vector.broadcast %get3A_8 : vector<2048x1xf32> to vector<2048x512xf32>
    %add3A_479 = arith.addf %add3A_478, %dot_general3A_477 : vector<2048x512xf32>
    %get3A_480 = arith.constant 0 : index
    %get3A_481 = arith.constant 7680 : index
    %get3A_482 = vector.load %arg5[%get3A_480, %get3A_481] : memref<1x8192xf32, #tpu.memory_space<vmem>>, vector<1x512xf32>
    %add3A_483 = vector.broadcast %get3A_482 : vector<1x512xf32> to vector<2048x512xf32>
    %add3A_484 = arith.addf %add3A_479, %add3A_483 : vector<2048x512xf32>
    %reduce_min3A_485 = arith.constant dense<0x7F800000> : vector<2048xf32>
    %reduce_min3A_486 = vector.multi_reduction <minimumf>, %add3A_484, %reduce_min3A_485 [1] : vector<2048x512xf32> to vector<2048xf32>
    %broadcast_in_dim3A_487 = vector.shape_cast %reduce_min3A_486 : vector<2048xf32> to vector<2048x1xf32>
    %eq3A_488 = vector.broadcast %broadcast_in_dim3A_487 : vector<2048x1xf32> to vector<2048x512xf32>
    %eq3A_489 = arith.cmpf oeq, %add3A_484, %eq3A_488 : vector<2048x512xf32>
    %get3A_490 = arith.constant 0 : index
    %get3A_491 = arith.constant 7680 : index
    %get3A_492 = vector.load %arg6[%get3A_490, %get3A_491] : memref<1x8192xf32, #tpu.memory_space<vmem>>, vector<1x512xf32>
    %jit3A_493 = arith.constant 8.192000e+03 : f32
    %broadcast_in_dim3A_494 = vector.shape_cast %get3A_492 : vector<1x512xf32> to vector<1x512xf32>
    %broadcast_in_dim3A_495 = vector.broadcast %broadcast_in_dim3A_494 : vector<1x512xf32> to vector<2048x512xf32>
    %broadcast_in_dim3A_496 = vector.broadcast %jit3A_493 : f32 to vector<2048x512xf32>
    %select_n3A_497 = arith.select %eq3A_489, %broadcast_in_dim3A_495, %broadcast_in_dim3A_496 : vector<2048x512xi1>, vector<2048x512xf32>
    %reduce_min3A_498 = arith.constant dense<0x7F800000> : vector<2048xf32>
    %reduce_min3A_499 = vector.multi_reduction <minimumf>, %select_n3A_497, %reduce_min3A_498 [1] : vector<2048x512xf32> to vector<2048xf32>
    %broadcast_in_dim3A_500 = vector.shape_cast %reduce_min3A_499 : vector<2048xf32> to vector<2048x1xf32>
    %lt3A_501 = arith.cmpf olt, %broadcast_in_dim3A_487, %select_n3A_472 : vector<2048x1xf32>
    %select_n3A_502 = arith.select %lt3A_501, %broadcast_in_dim3A_500, %select_n3A_471 : vector<2048x1xi1>, vector<2048x1xf32>
    %select_n3A_503 = arith.select %lt3A_501, %broadcast_in_dim3A_487, %select_n3A_472 : vector<2048x1xi1>, vector<2048x1xf32>
    %swap3A = arith.constant 0 : index
    %swap3A_504 = arith.constant 0 : index
    %swap3A_505 = vector.load %arg8[%swap3A, %swap3A_504] : memref<2048x1xf32, #tpu.memory_space<vmem>>, vector<2048x1xf32>
    tpu.vector_store %arg8[%swap3A, %swap3A_504], %select_n3A_503 {strides = array<i32>} : memref<2048x1xf32, #tpu.memory_space<vmem>>, vector<2048x1xf32>,
    %swap3A_506 = arith.constant 0 : index
    %swap3A_507 = arith.constant 0 : index
    %swap3A_508 = vector.load %arg9[%swap3A_506, %swap3A_507] : memref<2048x1xf32, #tpu.memory_space<vmem>>, vector<2048x1xf32>
    tpu.vector_store %arg9[%swap3A_506, %swap3A_507], %select_n3A_502 {strides = array<i32>} : memref<2048x1xf32, #tpu.memory_space<vmem>>, vector<2048x1xf32>,
    %eq3A_509 = arith.constant 0 : i32
    %eq3A_510 = arith.cmpi eq, %arg1, %eq3A_509 : i32
    %convert_element_type3A_511 = arith.extui %eq3A_510 : i1 to i32
    %cond3A_512 = arith.constant 0 : i32
    %cond3A_513 = arith.cmpi ne, %convert_element_type3A_511, %cond3A_512 : i32
    scf.if %cond3A_513 {
      %convert_element_type3A_514 = arith.fptosi %select_n3A_502 : vector<2048x1xf32> to vector<2048x1xi32>
      %swap3A_515 = arith.constant 0 : index
      %swap3A_516 = arith.constant 0 : index
      %swap3A_517 = vector.load %arg7[%swap3A_515, %swap3A_516] : memref<2048x1xi32, #tpu.memory_space<vmem>>, vector<2048x1xi32>
      tpu.vector_store %arg7[%swap3A_515, %swap3A_516], %convert_element_type3A_514 {strides = array<i32>} : memref<2048x1xi32, #tpu.memory_space<vmem>>, vector<2048x1xi32>,
    } else {
    }
    return
  }
  func.func @transform_0(%arg0: i32, %arg1: i32) -> (i32, i32) {
    %c0_i32 = arith.constant 0 : i32
    %c0_i32_0 = arith.constant 0 : i32
    return %arg0, %c0_i32 : i32, i32
  }
  func.func @transform_1(%arg0: i32, %arg1: i32) -> (i32, i32) {
    %c0_i32 = arith.constant 0 : i32
    %c0_i32_0 = arith.constant 0 : i32
    return %arg1, %c0_i32 : i32, i32
  }
  func.func @transform_2(%arg0: i32, %arg1: i32) -> (i32, i32) {
    %c0_i32 = arith.constant 0 : i32
    %c0_i32_0 = arith.constant 0 : i32
    return %arg0, %c0_i32 : i32, i32
  }
  func.func @transform_3(%arg0: i32, %arg1: i32) -> (i32, i32) {
    %c0_i32 = arith.constant 0 : i32
    %c0_i32_0 = arith.constant 0 : i32
    return %c0_i32, %arg1 : i32, i32
  }
  func.func @transform_4(%arg0: i32, %arg1: i32) -> (i32, i32) {
    %c0_i32 = arith.constant 0 : i32
    %c0_i32_0 = arith.constant 0 : i32
    return %c0_i32, %arg1 : i32, i32
  }
  func.func @transform_5(%arg0: i32, %arg1: i32) -> (i32, i32) {
    %c0_i32 = arith.constant 0 : i32
    %c0_i32_0 = arith.constant 0 : i32
    return %arg0, %c0_i32 : i32, i32
  }
}

</mosaic_0001>

<sc_bundles>
// kernel: kernel.4.cloned.1.call-start
scs
__scs_entry_jumppad:
0x0: {  	(pc) =	sbr.rel $0x88, $3  }
0x1: {  	(tag) =	ssettag $0x0;
	lr =	simm.s32 $0x1  }
0x2: {  	[smem:$0x3F9F] =	sst lr;
	_ =	strace $0xD0000000  }
0x3: {  	_ = 	snop  }
0x4: {  	_ = 	snop  }
0x5: {  	_ = 	snop  }
0x6: {  	_ = 	snop  }
0x7: {  	_ = 	snop  }
__scs_overlays_trampoline_lowered:
0x8: {  	[smem:$0x3FAE] =	sst s0  }
0x9: {  	[smem:$0x3FAF] =	sst s1  }
0xa: {  	[smem:$0x3FB0] =	sst s2  }
0xb: {  	[smem:$0x3FB1] =	sst s3  }
0xc: {  	[smem:$0x3FB2] =	sst s4  }
0xd: {  	[smem:$0x3FB3] =	sst s5  }
0xe: {  	[smem:$0x3FB4] =	sst s6  }
0xf: {  	[smem:$0x3FB5] =	sst s7  }
0x10: {  	[smem:$0x3FB6] =	sst s8  }
0x11: {  	[smem:$0x3FB7] =	sst s9;
	s0 =	simm.s32 @!p0 $0x0  }
0x12: {  	s1 =	sld [smem:$0x3F9D];
	s0 =	simm.s32 @p0 $0x1  }
0x13: {  	[smem:$0x3FB8] =	sst s0;
	s0 =	simm.s32 @!p1 $0x0  }
0x14: {  	s2 =	sld [smem:$0x3F9C];
	s0 =	simm.s32 @p1 $0x1  }
0x15: {  	[smem:$0x3FB9] =	sst s0;
	s0 =	simm.s32 @!p2 $0x0  }
0x16: {  	s3 =	sld [smem:$0x3FDB];
	s0 =	simm.s32 @p2 $0x1  }
0x17: {  	s4 =	simm.s32 $0x1BF5;
	[smem:$0x3FBB] =	sst s0  }
0x18: {  	s0 =	sld [smem:$0x3F9E];
	_ =	swait.ge [sflag:s4], $0x0  }
0x19: {  	s7 =	sld [smem:$0x3F9F]  }
0x1a: {  	s8 =	sadd.s32 $0xFFFFE003, lr  }
0x1b: {  	s9 =	sadd.s32 $0xFFFFFEF7, lr;
	s5 =	simm.s32 $0xFFFFFFFF;
	p2 =	slt.u32 s8, $0xFFFFF086  }
0x1c: {  	p1 =	slt.u32 s9, $0xF7A;
	s5 =	simm.s32 @!p2 $0x0  }
0x1d: {  	s5 =	simm.s32 @p1 $0x1;
	p0 =	seq.s32 s7, s2  }
0x1e: {  	s7 =	smul.u32 @!p0 $0xF7A, s2;
	p2 =	seq.s32 @!p0 s5, $0x0  }
0x1f: {  	s9 =	smul.u32 $0xF7A, s1;
	s8 =	simm.s32 @!p0 $0x1BF5;
	p2 =	por !p2, p0  }
0x20: {  	[sflag:s8] =	ssyncset.s32 @!p0 $0xFFFFF086;
	s6 =	sadd.s32 @!p0 s3, s7;
	s7 =	simm.s32 @!p0 $0x108  }
0x21: {  	s3 =	sadd.s32 s3, s9;
	s6 =	sadd.s32 @!p0 $0x88, s6;
	s7 =	simm.s32 @p2 $0x1082  }
0x22: {  	[simem:s7], [sflag:s8] =	dma.local @!p0 [hbm:s6], $0xF7A  }
0x23: {  	s9 =	sor.u32 $0xD0000000, s2;
	s6 =	simm.s32 $0x108;
	_ =	swait.ge @!p0 [sflag:s8], $0x0  }
0x24: {  	s3 =	sadd.s32 $0x88, s3;
	s6 =	simm.s32 @!p1 $0x1082;
	[sflag:s4] =	ssyncset.s32 $0xFFFFF086  }
0x25: {  	[simem:s6], [sflag:s4] =	dma.local [hbm:s3], $0xF7A  }
0x26: {  	[smem:$0x3F9F] =	sst s1;
	(tag) =	ssettag s2;
	_ =	strace s9  }
0x27: {  	s1 =	sld [smem:$0x3FAF]  }
0x28: {  	s2 =	sld [smem:$0x3FB0]  }
0x29: {  	s4 =	sld [smem:$0x3FB2]  }
0x2a: {  	p0 =	seq.s32 s5, $0x0;
	s5 =	sld [smem:$0x3FB3]  }
0x2b: {  	s6 =	sld [smem:$0x3FB4]  }
0x2c: {  	s7 =	sld [smem:$0x3FB5]  }
0x2d: {  	s3 =	simm.s32 $0x108;
	s8 =	sld [smem:$0x3FB6]  }
0x2e: {  	s3 =	simm.s32 @!p0 $0x1082;
	s9 =	sld [smem:$0x3FB7]  }
0x2f: {  	lr =	sadd.s32 s0, s3;
	s0 =	sld [smem:$0x3FAE]  }
0x30: {  	s3 =	sld [smem:$0x3FB1]  }
0x31: {  	[smem:$0x3FBA] =	sst s10  }
0x32: {  	s10 =	sld [smem:$0x3FB8];
	_ =	sdelay $0x3  }
0x33: {  	p0 =	seq.s32 s10, $0x1;
	s10 =	sld [smem:$0x3FBA];
	_ =	sdelay $0x3  }
0x34: {  	[smem:$0x3FBA] =	sst s10  }
0x35: {  	s10 =	sld [smem:$0x3FB9];
	_ =	sdelay $0x3  }
0x36: {  	p1 =	seq.s32 s10, $0x1;
	s10 =	sld [smem:$0x3FBA];
	_ =	sdelay $0x3  }
0x37: {  	[smem:$0x3FBA] =	sst s10  }
0x38: {  	s10 =	sld [smem:$0x3FBB]  }
0x39: {  	_ = 	snop;
	(pc) =	sbr.ind lr, $3  }
0x3a: {  	_ = 	snop  }
0x3b: {  	_ = 	snop  }
0x3c: {  	p2 =	seq.s32 s10, $0x1;
	s10 =	sld [smem:$0x3FBA]  }
0x3d: {  	_ =	shalt  }
0x3e: {  	_ =	shalt  }
0x3f: {  	_ =	shalt  }
0x40: {  	_ =	shalt  }
0x41: {  	_ =	shalt  }
0x42: {  	_ =	shalt  }
0x43: {  	_ =	shalt  }
0x44: {  	_ =	shalt  }
0x45: {  	_ =	shalt  }
0x46: {  	_ =	shalt  }
0x47: {  	_ =	shalt  }
0x48: {  	_ =	shalt  }
0x49: {  	_ =	shalt  }
0x4a: {  	_ =	shalt  }
0x4b: {  	_ =	shalt  }
0x4c: {  	_ =	shalt  }
0x4d: {  	_ =	shalt  }
0x4e: {  	_ =	shalt  }
0x4f: {  	_ =	shalt  }
0x50: {  	_ =	shalt  }
0x51: {  	_ =	shalt  }
0x52: {  	_ =	shalt  }
0x53: {  	_ =	shalt  }
0x54: {  	_ =	shalt  }
0x55: {  	_ =	shalt  }
0x56: {  	_ =	shalt  }
0x57: {  	_ =	shalt  }
0x58: {  	_ =	shalt  }
0x59: {  	_ =	shalt  }
0x5a: {  	_ =	shalt  }
0x5b: {  	_ =	shalt  }
0x5c: {  	_ =	shalt  }
0x5d: {  	_ =	shalt  }
0x5e: {  	_ =	shalt  }
0x5f: {  	_ =	shalt  }
0x60: {  	_ =	shalt  }
0x61: {  	_ =	shalt  }
0x62: {  	_ =	shalt  }
0x63: {  	_ =	shalt  }
0x64: {  	_ =	shalt  }
0x65: {  	_ =	shalt  }
0x66: {  	_ =	shalt  }
0x67: {  	_ =	shalt  }
0x68: {  	_ =	shalt  }
0x69: {  	_ =	shalt  }
0x6a: {  	_ =	shalt  }
0x6b: {  	_ =	shalt  }
0x6c: {  	_ =	shalt  }
0x6d: {  	_ =	shalt  }
0x6e: {  	_ =	shalt  }
0x6f: {  	_ =	shalt  }
0x70: {  	_ =	shalt  }
0x71: {  	_ =	shalt  }
0x72: {  	_ =	shalt  }
0x73: {  	_ =	shalt  }
0x74: {  	_ =	shalt  }
0x75: {  	_ =	shalt  }
0x76: {  	_ =	shalt  }
0x77: {  	_ =	shalt  }
0x78: {  	_ =	shalt  }
0x79: {  	_ =	shalt  }
0x7a: {  	_ =	shalt  }
0x7b: {  	_ =	shalt  }
0x7c: {  	_ =	shalt  }
0x7d: {  	_ =	shalt  }
0x7e: {  	_ =	shalt  }
0x7f: {  	_ =	shalt  }
0x80: {  	_ =	shalt  }
0x81: {  	_ =	shalt  }
0x82: {  	_ =	shalt  }
0x83: {  	_ =	shalt  }
0x84: {  	_ =	shalt  }
0x85: {  	_ =	shalt  }
0x86: {  	_ =	shalt  }
0x87: {  	_ =	shalt  }
.Lfunc_end0:
.L_simem_size_0:
called_computation_lowered:
.L_overlay_start_0:
0x88: {  	s2 =	sld [smem:$0x3FD9]  }
0x89: {  	s3 =	sld [smem:$0x3FFE];
	_ =	sdelay $0x1  }
0x8a: {  	s1 =	srdreg.scid  }
0x8b: {  	s0 =	sand.u32 $0x1, s1  }
0x8c: {  	s17 =	sshll.u32 s0, $0xA;
	s2 =	sadd.s32 s3, s2  }
0x8d: {  	s2 =	sadd.s32 s2, s17  }
0x8e: {  	[smem:$0x3FC6] =	sst s2  }
0x8f: {  	_ = 	snop  }
0x90: {  	s2 =	sld [smem:$0x3FC8]  }
0x91: {  	s18 =	sld [smem:$0x3FD0];
	(tm) =	ssettm $0x1  }
0x92: {  	s4 =	sld [smem:$0x3FFB];
	_ =	sdelay $0x3  }
0x93: {  	_ =	strace s4  }
0x94: {  	s4 =	sld [smem:$0x3FFC];
	_ =	sdelay $0x3  }
0x95: {  	_ =	strace s4  }
0x96: {  	s4 =	sld [smem:$0x3FFD];
	_ =	sdelay $0x3  }
0x97: {  	_ =	strace s4  }
0x98: {  	_ =	strace $0x8FFFFFFF  }
0x99: {  	s19 =	sld [smem:$0x3FDB];
	_ =	sdelay $0x1  }
0x9a: {  	s5 =	simm.s32 $_scs_section_size  }
0x9b: {  	s6 =	simm.s32 $_size__tile_overlayer_lowered;
	s7 =	simm.s32 $_tile_overlayer_lowered  }
0x9c: {  	s22 =	simm.s32 $0x1BFF;
	s21 =	sshll.u32 s7, $0x1;
	s4 =	sadd.s32 s5, s19  }
0x9d: {  	s8 =	simm.s32 $0x0;
	s20 =	sshll.u32 s6, $0x1;
	s6 =	sadd.s32 s21, s4  }
0x9e: {  	[timem:s8], [sflag:s22] =	dma.local [hbm:s6], s20  }
0x9f: {  	_ =	swait.ge [sflag:s22], s20  }
0xa0: {  	s5 =	ssub.s32 $0x0, s20;
	[sflag:s22] =	ssyncset.done $0x0  }
0xa1: {  	[sflag:s22] =	ssyncadd.s32 s5;
	_ =	sdelay $0x1  }
0xa2: {  	s23 =	simm.s32 $0x1B8B  }
0xa3: {  	_ =	swait.ge [sflag:s23], $0x1  }
0xa4: {  	[sflag:s23] =	ssyncset.done $0x0  }
0xa5: {  	s25 =	simm.s32 $0x1B8E;
	s24 =	sld [smem:$0x3FFE];
	[sflag:s23] =	ssyncadd.s32 $0xFFFFFFFF  }
0xa6: {  	s26 =	simm.s32 $execute0_lowered;
	[smem:$0x3FD2] =	sst s25  }
0xa7: {  	s6 =	sshll.u32 s26, $0x1;
	_ =	strace $0x80000046;
	[dreg:$0x1] =	wrdreg $0xFFFFFFFF  }
0xa8: {  	s28 =	simm.s32 $_size_execute0_lowered;
	s4 =	sadd.s32 s4, s6;
	[dreg:$0x0] =	wrdreg $0x0  }
0xa9: {  	s6 =	sshll.u32 s28, $0x1;
	[dreg:$0x2] =	wrdreg s4  }
0xaa: {  	[dreg:$0x3] =	wrdreg s6  }
0xab: {  	[dreg:$0x4] =	wrdreg $0xC0  }
0xac: {  	_ =	task [dreg:s8], $0x5FFFF  }
0xad: {  	[dreg:$0x1] =	wrdreg $0xFFFFFFFF  }
0xae: {  	[dreg:$0x0] =	wrdreg $0x60  }
0xaf: {  	[dreg:$0x2] =	wrdreg s2  }
0xb0: {  	[dreg:$0x3] =	wrdreg s24  }
0xb1: {  	[dreg:$0x4] =	wrdreg s18  }
0xb2: {  	[dreg:$0x5] =	wrdreg $0x9  }
0xb3: {  	_ =	task.clear_ibuf [dreg:s8], $0x6FFFF;
	_ =	strace $0x90000046  }
0xb4: {  	s29 =	simm.s32 $0x9;
	_ =	strace $0x80000048  }
0xb5: {  	_ =	swait.ge [sflag:s29], $0x1  }
0xb6: {  	[sflag:s29] =	ssyncadd.s32 $0xFFFFFFFF  }
0xb7: {  	_ =	strace $0x90000048  }
0xb8: {  	_ =	sfence  }
0xb9: {  	s30 =	sld [smem:$0x0];
	_ =	sdelay $0x2  }
0xba: {  	s31 =	sshll.u32 s1, $0xD;
	s1 =	sshrl.u32 s1, $0x2  }
0xbb: {  	s3 =	sand.u32 $0x4000, s31;
	s1 =	sadd.s32 s1, s30  }
0xbc: {  	s0 =	sor.u32 s3, s0;
	s1 =	sshll.u32 s1, $0x11  }
0xbd: {  	s0 =	sor.u32 s1, s0  }
0xbe: {  	s0 =	sadd.s32 $0x8F2B, s0  }
0xbf: {  	[sflag:s0] =	ssyncadd.remote.s32 $0x1  }
0xc0: {  	_ =	sfence.sel $0xFFFF  }
0xc1: {  	[dreg:$0x0] =	wrdreg $0xFFFFFFFF;
	(pc) =	sbr.abs _section_cstart, $3  }
0xc2: {  	[dreg:$0x1] =	wrdreg $0xFFFFFFFF  }
0xc3: {  	_ =	task.clear_ibuf [dreg:s8], $0x2FFFF;
	_ =	strace $0x9FFFFFFF  }
0xc4: {  	(tm) =	ssettm $0x7FFFFFFF  }
0xc5: {  	_ =	shalt  }
tec
execute0_lowered:
.L_overlay_start_1:
0x0: {  	(tag) =	ssettag $0x1  }
0x1: {  	s1 =	rddreg [dreg:$0x0]  }
0x2: {  	s4 =	rddreg [dreg:$0x1]  }
0x3: {  	s5 =	rddreg [dreg:$0x2]  }
0x4: {  	s0 =	rddreg [dreg:$0x3];
	s2 =	simm.s32 $0x0  }
0x5: {  	s3 =	srdreg.scid;
	s11 =	simm.s32 $0x200;
	s12 =	simm.s32 $0xA00  }
0x6: {  	s13 =	simm.s32 $0x1200;
	s14 =	simm.s32 $0x1A00;
	s15 =	simm.s32 $0x2200  }
0x7: {  	s16 =	simm.s32 $0x2A00;
	s17 =	simm.s32 $0x3200;
	s18 =	simm.s32 $0x3A00  }
0x8: {  	s19 =	simm.s32 $0x4200;
	s20 =	simm.s32 $0x4A00;
	s21 =	simm.s32 $0x5200  }
0x9: {  	s22 =	simm.s32 $0x5A00;
	s23 =	simm.s32 $0x6200;
	s24 =	simm.s32 $0x6A00  }
0xa: {  	s25 =	simm.s32 $0x7200;
	s26 =	simm.s32 $0x7A00;
	s28 =	simm.s32 $0x1  }
0xb: {  	[smem:$0x7FF] =	sst s2;
	s6 =	sand.u32 $0x1, s3;
	s3 =	stileid.u32  }
0xc: {  	_ =	strace $0x80000047;
	s7 =	sshll.u32 s6, $0x6;
	s30 =	sshll.u32 s3, $0xF  }
0xd: {  	s8 =	sshll.u32 s6, $0xE;
	s6 =	ssub.s32 $0x2, s6;
	s9 =	sshll.u32 s3, $0x7  }
0xe: {  	s4 =	sadd.s32 s7, s4;
	s7 =	sor.u32 s8, s30;
	s31 =	sshrl.u32 s6, $0x1  }
0xf: {  	v2 =	vlaneseq.u32;
	s9 =	sadd.s32 s9, s4;
	s4 =	sadd.s32 s5, s7;
	s10 =	ssub.s32 s6, s31  }
0x10: {  	vm0 =	vmmov $0xffff;
	v1 =	vshrl.u32 v2, $0x3;
	s5 =	sadd.s32 $0xC00, s9;
	s6 =	sadd.s32 $0x1000, s4;
	s7 =	sadd.s32 $0x2000, s4  }
0x11: {  	v0 =	vand.u32 $0x7, v2;
	v2 =	vor.u32 $0x8, v2;
	v1 =	vmul.u32 $0x8, v1;
	s8 =	sadd.s32 $0x3000, s4;
	s9 =	smax.u32 s10, $0x1;
	s10 =	simm.s32 $0x2  }
.LBB2_1:
0x12: {  	[tilespmem:s2], [sflag:$0x2] =	stream.linear.gather [hbm4b:s5+s2], $0x200, $0x38;
	[tilespmem:$0x8200] =	vst v63  }
0x13: {  	_ =	swait.ge [sflag:s10], $0x200  }
0x14: {  	[sflag:s10] =	ssyncset.done $0x0  }
0x15: {  	[sflag:s10] =	ssyncadd.s32 $0xFFFFFE00  }
0x16: {  	v3 =	vld [tilespmem:$0x0];
	_ =	sdelay $0x4  }
0x17: {  	v4 =	vshll.u32 v3, $0x1  }
0x18: {  	v3 =	vand.u32 $0x7, v3;
	v4 =	vand.u32 $0xFFFFFFF0, v4  }
0x19: {  	v3 =	vor.u32 v3, v4  }
0x1a: {  	v4 =	vperm.xlane v3, v0;
	_ =	sdelay $0x1  }
0x1b: {  	v3 =	vperm.xlane v3, v2;
	v4 =	vadd.s32 v1, v4;
	_ =	sdelay $0x1  }
0x1c: {  	v3 =	vadd.s32 v1, v3;
	_ =	sdelay $0x2  }
0x1d: {  	[tilespmem:s11], [sflag:$0x1] =	stream.indirect_vreg.gather [hbm4b:s1+s2], $0x80, v4, vm0, $0xb8;
	[tilespmem:$0x8200] =	vst v63  }
0x1e: {  	_ = 	snop  }
0x1f: {  	[tilespmem:s12], [sflag:$0x1] =	stream.indirect_vreg.gather [hbm4b:s1+s2], $0x80, v3, vm0, $0xb8;
	[tilespmem:$0x8200] =	vst v63  }
0x20: {  	v3 =	vld [tilespmem:$0x10];
	_ =	sdelay $0x4  }
0x21: {  	v33 =	vshll.u32 v3, $0x1  }
0x22: {  	v3 =	vand.u32 $0x7, v3;
	v4 =	vand.u32 $0xFFFFFFF0, v33  }
0x23: {  	v3 =	vor.u32 v3, v4  }
0x24: {  	v4 =	vperm.xlane v3, v0;
	_ =	sdelay $0x1  }
0x25: {  	v3 =	vperm.xlane v3, v2;
	v4 =	vadd.s32 v1, v4;
	_ =	sdelay $0x1  }
0x26: {  	v3 =	vadd.s32 v1, v3;
	_ =	sdelay $0x2  }
0x27: {  	[tilespmem:s13], [sflag:$0x1] =	stream.indirect_vreg.gather [hbm4b:s1+s2], $0x80, v4, vm0, $0xb8;
	[tilespmem:$0x8200] =	vst v63  }
0x28: {  	_ = 	snop  }
0x29: {  	[tilespmem:s14], [sflag:$0x1] =	stream.indirect_vreg.gather [hbm4b:s1+s2], $0x80, v3, vm0, $0xb8;
	[tilespmem:$0x8200] =	vst v63  }
0x2a: {  	v3 =	vld [tilespmem:$0x20];
	_ =	sdelay $0x4  }
0x2b: {  	v34 =	vshll.u32 v3, $0x1  }
0x2c: {  	v3 =	vand.u32 $0x7, v3;
	v4 =	vand.u32 $0xFFFFFFF0, v34  }
0x2d: {  	v3 =	vor.u32 v3, v4  }
0x2e: {  	v4 =	vperm.xlane v3, v0;
	_ =	sdelay $0x1  }
0x2f: {  	v3 =	vperm.xlane v3, v2;
	v4 =	vadd.s32 v1, v4;
	_ =	sdelay $0x1  }
0x30: {  	v3 =	vadd.s32 v1, v3;
	_ =	sdelay $0x2  }
0x31: {  	[tilespmem:s15], [sflag:$0x1] =	stream.indirect_vreg.gather [hbm4b:s1+s2], $0x80, v4, vm0, $0xb8;
	[tilespmem:$0x8200] =	vst v63  }
0x32: {  	_ = 	snop  }
0x33: {  	[tilespmem:s16], [sflag:$0x1] =	stream.indirect_vreg.gather [hbm4b:s1+s2], $0x80, v3, vm0, $0xb8;
	[tilespmem:$0x8200] =	vst v63  }
0x34: {  	v3 =	vld [tilespmem:$0x30];
	_ =	sdelay $0x4  }
0x35: {  	v35 =	vshll.u32 v3, $0x1  }
0x36: {  	v3 =	vand.u32 $0x7, v3;
	v4 =	vand.u32 $0xFFFFFFF0, v35  }
0x37: {  	v3 =	vor.u32 v3, v4  }
0x38: {  	v4 =	vperm.xlane v3, v0;
	_ =	sdelay $0x1  }
0x39: {  	v3 =	vperm.xlane v3, v2;
	v4 =	vadd.s32 v1, v4;
	_ =	sdelay $0x1  }
0x3a: {  	v3 =	vadd.s32 v1, v3;
	_ =	sdelay $0x2  }
0x3b: {  	[tilespmem:s17], [sflag:$0x1] =	stream.indirect_vreg.gather [hbm4b:s1+s2], $0x80, v4, vm0, $0xb8;
	[tilespmem:$0x8200] =	vst v63  }
0x3c: {  	_ = 	snop  }
0x3d: {  	[tilespmem:s18], [sflag:$0x1] =	stream.indirect_vreg.gather [hbm4b:s1+s2], $0x80, v3, vm0, $0xb8;
	[tilespmem:$0x8200] =	vst v63  }
0x3e: {  	v3 =	vld [tilespmem:$0x40];
	_ =	sdelay $0x4  }
0x3f: {  	v36 =	vshll.u32 v3, $0x1  }
0x40: {  	v3 =	vand.u32 $0x7, v3;
	v4 =	vand.u32 $0xFFFFFFF0, v36  }
0x41: {  	v3 =	vor.u32 v3, v4  }
0x42: {  	v4 =	vperm.xlane v3, v0;
	_ =	sdelay $0x1  }
0x43: {  	v3 =	vperm.xlane v3, v2;
	v4 =	vadd.s32 v1, v4;
	_ =	sdelay $0x1  }
0x44: {  	v3 =	vadd.s32 v1, v3;
	_ =	sdelay $0x2  }
0x45: {  	[tilespmem:s19], [sflag:$0x1] =	stream.indirect_vreg.gather [hbm4b:s1+s2], $0x80, v4, vm0, $0xb8;
	[tilespmem:$0x8200] =	vst v63  }
0x46: {  	_ = 	snop  }
0x47: {  	[tilespmem:s20], [sflag:$0x1] =	stream.indirect_vreg.gather [hbm4b:s1+s2], $0x80, v3, vm0, $0xb8;
	[tilespmem:$0x8200] =	vst v63  }
0x48: {  	v3 =	vld [tilespmem:$0x50];
	_ =	sdelay $0x4  }
0x49: {  	v37 =	vshll.u32 v3, $0x1  }
0x4a: {  	v3 =	vand.u32 $0x7, v3;
	v4 =	vand.u32 $0xFFFFFFF0, v37  }
0x4b: {  	v3 =	vor.u32 v3, v4  }
0x4c: {  	v4 =	vperm.xlane v3, v0;
	_ =	sdelay $0x1  }
0x4d: {  	v3 =	vperm.xlane v3, v2;
	v4 =	vadd.s32 v1, v4;
	_ =	sdelay $0x1  }
0x4e: {  	v3 =	vadd.s32 v1, v3;
	_ =	sdelay $0x2  }
0x4f: {  	[tilespmem:s21], [sflag:$0x1] =	stream.indirect_vreg.gather [hbm4b:s1+s2], $0x80, v4, vm0, $0xb8;
	[tilespmem:$0x8200] =	vst v63  }
0x50: {  	_ = 	snop  }
0x51: {  	[tilespmem:s22], [sflag:$0x1] =	stream.indirect_vreg.gather [hbm4b:s1+s2], $0x80, v3, vm0, $0xb8;
	[tilespmem:$0x8200] =	vst v63  }
0x52: {  	v3 =	vld [tilespmem:$0x60];
	_ =	sdelay $0x4  }
0x53: {  	v38 =	vshll.u32 v3, $0x1  }
0x54: {  	v3 =	vand.u32 $0x7, v3;
	v4 =	vand.u32 $0xFFFFFFF0, v38  }
0x55: {  	v3 =	vor.u32 v3, v4  }
0x56: {  	v4 =	vperm.xlane v3, v0;
	_ =	sdelay $0x1  }
0x57: {  	v3 =	vperm.xlane v3, v2;
	v4 =	vadd.s32 v1, v4;
	_ =	sdelay $0x1  }
0x58: {  	v3 =	vadd.s32 v1, v3;
	_ =	sdelay $0x2  }
0x59: {  	[tilespmem:s23], [sflag:$0x1] =	stream.indirect_vreg.gather [hbm4b:s1+s2], $0x80, v4, vm0, $0xb8;
	[tilespmem:$0x8200] =	vst v63  }
0x5a: {  	_ = 	snop  }
0x5b: {  	[tilespmem:s24], [sflag:$0x1] =	stream.indirect_vreg.gather [hbm4b:s1+s2], $0x80, v3, vm0, $0xb8;
	[tilespmem:$0x8200] =	vst v63  }
0x5c: {  	v3 =	vld [tilespmem:$0x70];
	_ =	sdelay $0x4  }
0x5d: {  	v39 =	vshll.u32 v3, $0x1  }
0x5e: {  	v3 =	vand.u32 $0x7, v3;
	v4 =	vand.u32 $0xFFFFFFF0, v39  }
0x5f: {  	v3 =	vor.u32 v3, v4  }
0x60: {  	v4 =	vperm.xlane v3, v0;
	_ =	sdelay $0x1  }
0x61: {  	v3 =	vperm.xlane v3, v2;
	v4 =	vadd.s32 v1, v4;
	_ =	sdelay $0x1  }
0x62: {  	v3 =	vadd.s32 v1, v3;
	_ =	sdelay $0x2  }
0x63: {  	[tilespmem:s25], [sflag:$0x1] =	stream.indirect_vreg.gather [hbm4b:s1+s2], $0x80, v4, vm0, $0xb8;
	[tilespmem:$0x8200] =	vst v63  }
0x64: {  	_ = 	snop  }
0x65: {  	[tilespmem:s26], [sflag:$0x1] =	stream.indirect_vreg.gather [hbm4b:s1+s2], $0x80, v3, vm0, $0xb8;
	[tilespmem:$0x8200] =	vst v63  }
0x66: {  	_ =	swait.ge [sflag:s28], $0x8000  }
0x67: {  	[sflag:s28] =	ssyncset.done $0x0  }
0x68: {  	[sflag:s28] =	ssyncadd.s32 $0xFFFF8000  }
0x69: {  	[hbm4b:s4+s2] =	stream.linear.scatter [tilespmem:s11], [sflag:$0x2], $0x8000, $0x38;
	[tilespmem:$0x8200] =	vst v63  }
0x6a: {  	_ =	swait.ge [sflag:s10], $0x8000  }
0x6b: {  	[sflag:s10] =	ssyncset.done $0x0  }
0x6c: {  	[sflag:s10] =	ssyncadd.s32 $0xFFFF8000  }
0x6d: {  	v3 =	vld [tilespmem:$0x80];
	_ =	sdelay $0x4  }
0x6e: {  	v40 =	vshll.u32 v3, $0x1  }
0x6f: {  	v3 =	vand.u32 $0x7, v3;
	v4 =	vand.u32 $0xFFFFFFF0, v40  }
0x70: {  	v3 =	vor.u32 v3, v4  }
0x71: {  	v4 =	vperm.xlane v3, v0;
	_ =	sdelay $0x1  }
0x72: {  	v3 =	vperm.xlane v3, v2;
	v4 =	vadd.s32 v1, v4;
	_ =	sdelay $0x1  }
0x73: {  	v3 =	vadd.s32 v1, v3;
	_ =	sdelay $0x2  }
0x74: {  	[tilespmem:s11], [sflag:$0x1] =	stream.indirect_vreg.gather [hbm4b:s1+s2], $0x80, v4, vm0, $0xb8;
	[tilespmem:$0x8200] =	vst v63  }
0x75: {  	_ = 	snop  }
0x76: {  	[tilespmem:s12], [sflag:$0x1] =	stream.indirect_vreg.gather [hbm4b:s1+s2], $0x80, v3, vm0, $0xb8;
	[tilespmem:$0x8200] =	vst v63  }
0x77: {  	v3 =	vld [tilespmem:$0x90];
	_ =	sdelay $0x4  }
0x78: {  	v41 =	vshll.u32 v3, $0x1  }
0x79: {  	v3 =	vand.u32 $0x7, v3;
	v4 =	vand.u32 $0xFFFFFFF0, v41  }
0x7a: {  	v3 =	vor.u32 v3, v4  }
0x7b: {  	v4 =	vperm.xlane v3, v0;
	_ =	sdelay $0x1  }
0x7c: {  	v3 =	vperm.xlane v3, v2;
	v4 =	vadd.s32 v1, v4;
	_ =	sdelay $0x1  }
0x7d: {  	v3 =	vadd.s32 v1, v3;
	_ =	sdelay $0x2  }
0x7e: {  	[tilespmem:s13], [sflag:$0x1] =	stream.indirect_vreg.gather [hbm4b:s1+s2], $0x80, v4, vm0, $0xb8;
	[tilespmem:$0x8200] =	vst v63  }
0x7f: {  	_ = 	snop  }
0x80: {  	[tilespmem:s14], [sflag:$0x1] =	stream.indirect_vreg.gather [hbm4b:s1+s2], $0x80, v3, vm0, $0xb8;
	[tilespmem:$0x8200] =	vst v63  }
0x81: {  	v3 =	vld [tilespmem:$0xA0];
	_ =	sdelay $0x4  }
0x82: {  	v42 =	vshll.u32 v3, $0x1  }
0x83: {  	v3 =	vand.u32 $0x7, v3;
	v4 =	vand.u32 $0xFFFFFFF0, v42  }
0x84: {  	v3 =	vor.u32 v3, v4  }
0x85: {  	v4 =	vperm.xlane v3, v0;
	_ =	sdelay $0x1  }
0x86: {  	v3 =	vperm.xlane v3, v2;
	v4 =	vadd.s32 v1, v4;
	_ =	sdelay $0x1  }
0x87: {  	v3 =	vadd.s32 v1, v3;
	_ =	sdelay $0x2  }
0x88: {  	[tilespmem:s15], [sflag:$0x1] =	stream.indirect_vreg.gather [hbm4b:s1+s2], $0x80, v4, vm0, $0xb8;
	[tilespmem:$0x8200] =	vst v63  }
0x89: {  	_ = 	snop  }
0x8a: {  	[tilespmem:s16], [sflag:$0x1] =	stream.indirect_vreg.gather [hbm4b:s1+s2], $0x80, v3, vm0, $0xb8;
	[tilespmem:$0x8200] =	vst v63  }
0x8b: {  	v3 =	vld [tilespmem:$0xB0];
	_ =	sdelay $0x4  }
0x8c: {  	v43 =	vshll.u32 v3, $0x1  }
0x8d: {  	v3 =	vand.u32 $0x7, v3;
	v4 =	vand.u32 $0xFFFFFFF0, v43  }
0x8e: {  	v3 =	vor.u32 v3, v4  }
0x8f: {  	v4 =	vperm.xlane v3, v0;
	_ =	sdelay $0x1  }
0x90: {  	v3 =	vperm.xlane v3, v2;
	v4 =	vadd.s32 v1, v4;
	_ =	sdelay $0x1  }
0x91: {  	v3 =	vadd.s32 v1, v3;
	_ =	sdelay $0x2  }
0x92: {  	[tilespmem:s17], [sflag:$0x1] =	stream.indirect_vreg.gather [hbm4b:s1+s2], $0x80, v4, vm0, $0xb8;
	[tilespmem:$0x8200] =	vst v63  }
0x93: {  	_ = 	snop  }
0x94: {  	[tilespmem:s18], [sflag:$0x1] =	stream.indirect_vreg.gather [hbm4b:s1+s2], $0x80, v3, vm0, $0xb8;
	[tilespmem:$0x8200] =	vst v63  }
0x95: {  	v3 =	vld [tilespmem:$0xC0];
	_ =	sdelay $0x4  }
0x96: {  	v44 =	vshll.u32 v3, $0x1  }
0x97: {  	v3 =	vand.u32 $0x7, v3;
	v4 =	vand.u32 $0xFFFFFFF0, v44  }
0x98: {  	v3 =	vor.u32 v3, v4  }
0x99: {  	v4 =	vperm.xlane v3, v0;
	_ =	sdelay $0x1  }
0x9a: {  	v3 =	vperm.xlane v3, v2;
	v4 =	vadd.s32 v1, v4;
	_ =	sdelay $0x1  }
0x9b: {  	v3 =	vadd.s32 v1, v3;
	_ =	sdelay $0x2  }
0x9c: {  	[tilespmem:s19], [sflag:$0x1] =	stream.indirect_vreg.gather [hbm4b:s1+s2], $0x80, v4, vm0, $0xb8;
	[tilespmem:$0x8200] =	vst v63  }
0x9d: {  	_ = 	snop  }
0x9e: {  	[tilespmem:s20], [sflag:$0x1] =	stream.indirect_vreg.gather [hbm4b:s1+s2], $0x80, v3, vm0, $0xb8;
	[tilespmem:$0x8200] =	vst v63  }
0x9f: {  	v3 =	vld [tilespmem:$0xD0];
	_ =	sdelay $0x4  }
0xa0: {  	v45 =	vshll.u32 v3, $0x1  }
0xa1: {  	v3 =	vand.u32 $0x7, v3;
	v4 =	vand.u32 $0xFFFFFFF0, v45  }
0xa2: {  	v3 =	vor.u32 v3, v4  }
0xa3: {  	v4 =	vperm.xlane v3, v0;
	_ =	sdelay $0x1  }
0xa4: {  	v3 =	vperm.xlane v3, v2;
	v4 =	vadd.s32 v1, v4;
	_ =	sdelay $0x1  }
0xa5: {  	v3 =	vadd.s32 v1, v3;
	_ =	sdelay $0x2  }
0xa6: {  	[tilespmem:s21], [sflag:$0x1] =	stream.indirect_vreg.gather [hbm4b:s1+s2], $0x80, v4, vm0, $0xb8;
	[tilespmem:$0x8200] =	vst v63  }
0xa7: {  	_ = 	snop  }
0xa8: {  	[tilespmem:s22], [sflag:$0x1] =	stream.indirect_vreg.gather [hbm4b:s1+s2], $0x80, v3, vm0, $0xb8;
	[tilespmem:$0x8200] =	vst v63  }
0xa9: {  	v3 =	vld [tilespmem:$0xE0];
	_ =	sdelay $0x4  }
0xaa: {  	v46 =	vshll.u32 v3, $0x1  }
0xab: {  	v3 =	vand.u32 $0x7, v3;
	v4 =	vand.u32 $0xFFFFFFF0, v46  }
0xac: {  	v3 =	vor.u32 v3, v4  }
0xad: {  	v4 =	vperm.xlane v3, v0;
	_ =	sdelay $0x1  }
0xae: {  	v3 =	vperm.xlane v3, v2;
	v4 =	vadd.s32 v1, v4;
	_ =	sdelay $0x1  }
0xaf: {  	v3 =	vadd.s32 v1, v3;
	_ =	sdelay $0x2  }
0xb0: {  	[tilespmem:s23], [sflag:$0x1] =	stream.indirect_vreg.gather [hbm4b:s1+s2], $0x80, v4, vm0, $0xb8;
	[tilespmem:$0x8200] =	vst v63  }
0xb1: {  	_ = 	snop  }
0xb2: {  	[tilespmem:s24], [sflag:$0x1] =	stream.indirect_vreg.gather [hbm4b:s1+s2], $0x80, v3, vm0, $0xb8;
	[tilespmem:$0x8200] =	vst v63  }
0xb3: {  	v3 =	vld [tilespmem:$0xF0];
	_ =	sdelay $0x4  }
0xb4: {  	v47 =	vshll.u32 v3, $0x1  }
0xb5: {  	v3 =	vand.u32 $0x7, v3;
	v4 =	vand.u32 $0xFFFFFFF0, v47  }
0xb6: {  	v3 =	vor.u32 v3, v4  }
0xb7: {  	v4 =	vperm.xlane v3, v0;
	_ =	sdelay $0x1  }
0xb8: {  	v3 =	vperm.xlane v3, v2;
	v4 =	vadd.s32 v1, v4;
	_ =	sdelay $0x1  }
0xb9: {  	v3 =	vadd.s32 v1, v3;
	_ =	sdelay $0x2  }
0xba: {  	[tilespmem:s25], [sflag:$0x1] =	stream.indirect_vreg.gather [hbm4b:s1+s2], $0x80, v4, vm0, $0xb8;
	[tilespmem:$0x8200] =	vst v63  }
0xbb: {  	_ = 	snop  }
0xbc: {  	[tilespmem:s26], [sflag:$0x1] =	stream.indirect_vreg.gather [hbm4b:s1+s2], $0x80, v3, vm0, $0xb8;
	[tilespmem:$0x8200] =	vst v63  }
0xbd: {  	_ =	swait.ge [sflag:s28], $0x8000  }
0xbe: {  	[sflag:s28] =	ssyncset.done $0x0  }
0xbf: {  	[sflag:s28] =	ssyncadd.s32 $0xFFFF8000  }
0xc0: {  	[hbm4b:s6+s2] =	stream.linear.scatter [tilespmem:s11], [sflag:$0x2], $0x8000, $0x38;
	[tilespmem:$0x8200] =	vst v63  }
0xc1: {  	_ =	swait.ge [sflag:s10], $0x8000  }
0xc2: {  	[sflag:s10] =	ssyncset.done $0x0  }
0xc3: {  	[sflag:s10] =	ssyncadd.s32 $0xFFFF8000  }
0xc4: {  	v3 =	vld [tilespmem:$0x100];
	_ =	sdelay $0x4  }
0xc5: {  	v48 =	vshll.u32 v3, $0x1  }
0xc6: {  	v3 =	vand.u32 $0x7, v3;
	v4 =	vand.u32 $0xFFFFFFF0, v48  }
0xc7: {  	v3 =	vor.u32 v3, v4  }
0xc8: {  	v4 =	vperm.xlane v3, v0;
	_ =	sdelay $0x1  }
0xc9: {  	v3 =	vperm.xlane v3, v2;
	v4 =	vadd.s32 v1, v4;
	_ =	sdelay $0x1  }
0xca: {  	v3 =	vadd.s32 v1, v3;
	_ =	sdelay $0x2  }
0xcb: {  	[tilespmem:s11], [sflag:$0x1] =	stream.indirect_vreg.gather [hbm4b:s1+s2], $0x80, v4, vm0, $0xb8;
	[tilespmem:$0x8200] =	vst v63  }
0xcc: {  	_ = 	snop  }
0xcd: {  	[tilespmem:s12], [sflag:$0x1] =	stream.indirect_vreg.gather [hbm4b:s1+s2], $0x80, v3, vm0, $0xb8;
	[tilespmem:$0x8200] =	vst v63  }
0xce: {  	v3 =	vld [tilespmem:$0x110];
	_ =	sdelay $0x4  }
0xcf: {  	v49 =	vshll.u32 v3, $0x1  }
0xd0: {  	v3 =	vand.u32 $0x7, v3;
	v4 =	vand.u32 $0xFFFFFFF0, v49  }
0xd1: {  	v3 =	vor.u32 v3, v4  }
0xd2: {  	v4 =	vperm.xlane v3, v0;
	_ =	sdelay $0x1  }
0xd3: {  	v3 =	vperm.xlane v3, v2;
	v4 =	vadd.s32 v1, v4;
	_ =	sdelay $0x1  }
0xd4: {  	v3 =	vadd.s32 v1, v3;
	_ =	sdelay $0x2  }
0xd5: {  	[tilespmem:s13], [sflag:$0x1] =	stream.indirect_vreg.gather [hbm4b:s1+s2], $0x80, v4, vm0, $0xb8;
	[tilespmem:$0x8200] =	vst v63  }
0xd6: {  	_ = 	snop  }
0xd7: {  	[tilespmem:s14], [sflag:$0x1] =	stream.indirect_vreg.gather [hbm4b:s1+s2], $0x80, v3, vm0, $0xb8;
	[tilespmem:$0x8200] =	vst v63  }
0xd8: {  	v3 =	vld [tilespmem:$0x120];
	_ =	sdelay $0x4  }
0xd9: {  	v50 =	vshll.u32 v3, $0x1  }
0xda: {  	v3 =	vand.u32 $0x7, v3;
	v4 =	vand.u32 $0xFFFFFFF0, v50  }
0xdb: {  	v3 =	vor.u32 v3, v4  }
0xdc: {  	v4 =	vperm.xlane v3, v0;
	_ =	sdelay $0x1  }
0xdd: {  	v3 =	vperm.xlane v3, v2;
	v4 =	vadd.s32 v1, v4;
	_ =	sdelay $0x1  }
0xde: {  	v3 =	vadd.s32 v1, v3;
	_ =	sdelay $0x2  }
0xdf: {  	[tilespmem:s15], [sflag:$0x1] =	stream.indirect_vreg.gather [hbm4b:s1+s2], $0x80, v4, vm0, $0xb8;
	[tilespmem:$0x8200] =	vst v63  }
0xe0: {  	_ = 	snop  }
0xe1: {  	[tilespmem:s16], [sflag:$0x1] =	stream.indirect_vreg.gather [hbm4b:s1+s2], $0x80, v3, vm0, $0xb8;
	[tilespmem:$0x8200] =	vst v63  }
0xe2: {  	v3 =	vld [tilespmem:$0x130];
	_ =	sdelay $0x4  }
0xe3: {  	v51 =	vshll.u32 v3, $0x1  }
0xe4: {  	v3 =	vand.u32 $0x7, v3;
	v4 =	vand.u32 $0xFFFFFFF0, v51  }
0xe5: {  	v3 =	vor.u32 v3, v4  }
0xe6: {  	v4 =	vperm.xlane v3, v0;
	_ =	sdelay $0x1  }
0xe7: {  	v3 =	vperm.xlane v3, v2;
	v4 =	vadd.s32 v1, v4;
	_ =	sdelay $0x1  }
0xe8: {  	v3 =	vadd.s32 v1, v3;
	_ =	sdelay $0x2  }
0xe9: {  	[tilespmem:s17], [sflag:$0x1] =	stream.indirect_vreg.gather [hbm4b:s1+s2], $0x80, v4, vm0, $0xb8;
	[tilespmem:$0x8200] =	vst v63  }
0xea: {  	_ = 	snop  }
0xeb: {  	[tilespmem:s18], [sflag:$0x1] =	stream.indirect_vreg.gather [hbm4b:s1+s2], $0x80, v3, vm0, $0xb8;
	[tilespmem:$0x8200] =	vst v63  }
0xec: {  	v3 =	vld [tilespmem:$0x140];
	_ =	sdelay $0x4  }
0xed: {  	v52 =	vshll.u32 v3, $0x1  }
0xee: {  	v3 =	vand.u32 $0x7, v3;
	v4 =	vand.u32 $0xFFFFFFF0, v52  }
0xef: {  	v3 =	vor.u32 v3, v4  }
0xf0: {  	v4 =	vperm.xlane v3, v0;
	_ =	sdelay $0x1  }
0xf1: {  	v3 =	vperm.xlane v3, v2;
	v4 =	vadd.s32 v1, v4;
	_ =	sdelay $0x1  }
0xf2: {  	v3 =	vadd.s32 v1, v3;
	_ =	sdelay $0x2  }
0xf3: {  	[tilespmem:s19], [sflag:$0x1] =	stream.indirect_vreg.gather [hbm4b:s1+s2], $0x80, v4, vm0, $0xb8;
	[tilespmem:$0x8200] =	vst v63  }
0xf4: {  	_ = 	snop  }
0xf5: {  	[tilespmem:s20], [sflag:$0x1] =	stream.indirect_vreg.gather [hbm4b:s1+s2], $0x80, v3, vm0, $0xb8;
	[tilespmem:$0x8200] =	vst v63  }
0xf6: {  	v3 =	vld [tilespmem:$0x150];
	_ =	sdelay $0x4  }
0xf7: {  	v53 =	vshll.u32 v3, $0x1  }
0xf8: {  	v3 =	vand.u32 $0x7, v3;
	v4 =	vand.u32 $0xFFFFFFF0, v53  }
0xf9: {  	v3 =	vor.u32 v3, v4  }
0xfa: {  	v4 =	vperm.xlane v3, v0;
	_ =	sdelay $0x1  }
0xfb: {  	v3 =	vperm.xlane v3, v2;
	v4 =	vadd.s32 v1, v4;
	_ =	sdelay $0x1  }
0xfc: {  	v3 =	vadd.s32 v1, v3;
	_ =	sdelay $0x2  }
0xfd: {  	[tilespmem:s21], [sflag:$0x1] =	stream.indirect_vreg.gather [hbm4b:s1+s2], $0x80, v4, vm0, $0xb8;
	[tilespmem:$0x8200] =	vst v63  }
0xfe: {  	_ = 	snop  }
0xff: {  	[tilespmem:s22], [sflag:$0x1] =	stream.indirect_vreg.gather [hbm4b:s1+s2], $0x80, v3, vm0, $0xb8;
	[tilespmem:$0x8200] =	vst v63  }
0x100: {  	v3 =	vld [tilespmem:$0x160];
	_ =	sdelay $0x4  }
0x101: {  	v54 =	vshll.u32 v3, $0x1  }
0x102: {  	v3 =	vand.u32 $0x7, v3;
	v4 =	vand.u32 $0xFFFFFFF0, v54  }
0x103: {  	v3 =	vor.u32 v3, v4  }
0x104: {  	v4 =	vperm.xlane v3, v0;
	_ =	sdelay $0x1  }
0x105: {  	v3 =	vperm.xlane v3, v2;
	v4 =	vadd.s32 v1, v4;
	_ =	sdelay $0x1  }
0x106: {  	v3 =	vadd.s32 v1, v3;
	_ =	sdelay $0x2  }
0x107: {  	[tilespmem:s23], [sflag:$0x1] =	stream.indirect_vreg.gather [hbm4b:s1+s2], $0x80, v4, vm0, $0xb8;
	[tilespmem:$0x8200] =	vst v63  }
0x108: {  	_ = 	snop  }
0x109: {  	[tilespmem:s24], [sflag:$0x1] =	stream.indirect_vreg.gather [hbm4b:s1+s2], $0x80, v3, vm0, $0xb8;
	[tilespmem:$0x8200] =	vst v63  }
0x10a: {  	v3 =	vld [tilespmem:$0x170];
	_ =	sdelay $0x4  }
0x10b: {  	v55 =	vshll.u32 v3, $0x1  }
0x10c: {  	v3 =	vand.u32 $0x7, v3;
	v4 =	vand.u32 $0xFFFFFFF0, v55  }
0x10d: {  	v3 =	vor.u32 v3, v4  }
0x10e: {  	v4 =	vperm.xlane v3, v0;
	_ =	sdelay $0x1  }
0x10f: {  	v3 =	vperm.xlane v3, v2;
	v4 =	vadd.s32 v1, v4;
	_ =	sdelay $0x1  }
0x110: {  	v3 =	vadd.s32 v1, v3;
	_ =	sdelay $0x2  }
0x111: {  	[tilespmem:s25], [sflag:$0x1] =	stream.indirect_vreg.gather [hbm4b:s1+s2], $0x80, v4, vm0, $0xb8;
	[tilespmem:$0x8200] =	vst v63  }
0x112: {  	_ = 	snop  }
0x113: {  	[tilespmem:s26], [sflag:$0x1] =	stream.indirect_vreg.gather [hbm4b:s1+s2], $0x80, v3, vm0, $0xb8;
	[tilespmem:$0x8200] =	vst v63  }
0x114: {  	_ =	swait.ge [sflag:s28], $0x8000  }
0x115: {  	[sflag:s28] =	ssyncset.done $0x0  }
0x116: {  	[sflag:s28] =	ssyncadd.s32 $0xFFFF8000  }
0x117: {  	[hbm4b:s7+s2] =	stream.linear.scatter [tilespmem:s11], [sflag:$0x2], $0x8000, $0x38;
	[tilespmem:$0x8200] =	vst v63  }
0x118: {  	_ =	swait.ge [sflag:s10], $0x8000  }
0x119: {  	[sflag:s10] =	ssyncset.done $0x0  }
0x11a: {  	[sflag:s10] =	ssyncadd.s32 $0xFFFF8000  }
0x11b: {  	v3 =	vld [tilespmem:$0x180];
	_ =	sdelay $0x4  }
0x11c: {  	v56 =	vshll.u32 v3, $0x1  }
0x11d: {  	v3 =	vand.u32 $0x7, v3;
	v4 =	vand.u32 $0xFFFFFFF0, v56  }
0x11e: {  	v3 =	vor.u32 v3, v4  }
0x11f: {  	v4 =	vperm.xlane v3, v0;
	_ =	sdelay $0x1  }
0x120: {  	v3 =	vperm.xlane v3, v2;
	v4 =	vadd.s32 v1, v4;
	_ =	sdelay $0x1  }
0x121: {  	v3 =	vadd.s32 v1, v3;
	_ =	sdelay $0x2  }
0x122: {  	[tilespmem:s11], [sflag:$0x1] =	stream.indirect_vreg.gather [hbm4b:s1+s2], $0x80, v4, vm0, $0xb8;
	[tilespmem:$0x8200] =	vst v63  }
0x123: {  	_ = 	snop  }
0x124: {  	[tilespmem:s12], [sflag:$0x1] =	stream.indirect_vreg.gather [hbm4b:s1+s2], $0x80, v3, vm0, $0xb8;
	[tilespmem:$0x8200] =	vst v63  }
0x125: {  	v3 =	vld [tilespmem:$0x190];
	_ =	sdelay $0x4  }
0x126: {  	v57 =	vshll.u32 v3, $0x1  }
0x127: {  	v3 =	vand.u32 $0x7, v3;
	v4 =	vand.u32 $0xFFFFFFF0, v57  }
0x128: {  	v3 =	vor.u32 v3, v4  }
0x129: {  	v4 =	vperm.xlane v3, v0;
	_ =	sdelay $0x1  }
0x12a: {  	v3 =	vperm.xlane v3, v2;
	v4 =	vadd.s32 v1, v4;
	_ =	sdelay $0x1  }
0x12b: {  	v3 =	vadd.s32 v1, v3;
	_ =	sdelay $0x2  }
0x12c: {  	[tilespmem:s13], [sflag:$0x1] =	stream.indirect_vreg.gather [hbm4b:s1+s2], $0x80, v4, vm0, $0xb8;
	[tilespmem:$0x8200] =	vst v63  }
0x12d: {  	_ = 	snop  }
0x12e: {  	[tilespmem:s14], [sflag:$0x1] =	stream.indirect_vreg.gather [hbm4b:s1+s2], $0x80, v3, vm0, $0xb8;
	[tilespmem:$0x8200] =	vst v63  }
0x12f: {  	v3 =	vld [tilespmem:$0x1A0];
	_ =	sdelay $0x4  }
0x130: {  	v58 =	vshll.u32 v3, $0x1  }
0x131: {  	v3 =	vand.u32 $0x7, v3;
	v4 =	vand.u32 $0xFFFFFFF0, v58  }
0x132: {  	v3 =	vor.u32 v3, v4  }
0x133: {  	v4 =	vperm.xlane v3, v0;
	_ =	sdelay $0x1  }
0x134: {  	v3 =	vperm.xlane v3, v2;
	v4 =	vadd.s32 v1, v4;
	_ =	sdelay $0x1  }
0x135: {  	v3 =	vadd.s32 v1, v3;
	_ =	sdelay $0x2  }
0x136: {  	[tilespmem:s15], [sflag:$0x1] =	stream.indirect_vreg.gather [hbm4b:s1+s2], $0x80, v4, vm0, $0xb8;
	[tilespmem:$0x8200] =	vst v63  }
0x137: {  	_ = 	snop  }
0x138: {  	[tilespmem:s16], [sflag:$0x1] =	stream.indirect_vreg.gather [hbm4b:s1+s2], $0x80, v3, vm0, $0xb8;
	[tilespmem:$0x8200] =	vst v63  }
0x139: {  	v3 =	vld [tilespmem:$0x1B0];
	_ =	sdelay $0x4  }
0x13a: {  	v59 =	vshll.u32 v3, $0x1  }
0x13b: {  	v3 =	vand.u32 $0x7, v3;
	v4 =	vand.u32 $0xFFFFFFF0, v59  }
0x13c: {  	v3 =	vor.u32 v3, v4  }
0x13d: {  	v4 =	vperm.xlane v3, v0;
	_ =	sdelay $0x1  }
0x13e: {  	v3 =	vperm.xlane v3, v2;
	v4 =	vadd.s32 v1, v4;
	_ =	sdelay $0x1  }
0x13f: {  	v3 =	vadd.s32 v1, v3;
	_ =	sdelay $0x2  }
0x140: {  	[tilespmem:s17], [sflag:$0x1] =	stream.indirect_vreg.gather [hbm4b:s1+s2], $0x80, v4, vm0, $0xb8;
	[tilespmem:$0x8200] =	vst v63  }
0x141: {  	_ = 	snop  }
0x142: {  	[tilespmem:s18], [sflag:$0x1] =	stream.indirect_vreg.gather [hbm4b:s1+s2], $0x80, v3, vm0, $0xb8;
	[tilespmem:$0x8200] =	vst v63  }
0x143: {  	v3 =	vld [tilespmem:$0x1C0];
	_ =	sdelay $0x4  }
0x144: {  	v60 =	vshll.u32 v3, $0x1  }
0x145: {  	v3 =	vand.u32 $0x7, v3;
	v4 =	vand.u32 $0xFFFFFFF0, v60  }
0x146: {  	v3 =	vor.u32 v3, v4  }
0x147: {  	v4 =	vperm.xlane v3, v0;
	_ =	sdelay $0x1  }
0x148: {  	v3 =	vperm.xlane v3, v2;
	v4 =	vadd.s32 v1, v4;
	_ =	sdelay $0x1  }
0x149: {  	v3 =	vadd.s32 v1, v3;
	_ =	sdelay $0x2  }
0x14a: {  	[tilespmem:s19], [sflag:$0x1] =	stream.indirect_vreg.gather [hbm4b:s1+s2], $0x80, v4, vm0, $0xb8;
	[tilespmem:$0x8200] =	vst v63  }
0x14b: {  	_ = 	snop  }
0x14c: {  	[tilespmem:s20], [sflag:$0x1] =	stream.indirect_vreg.gather [hbm4b:s1+s2], $0x80, v3, vm0, $0xb8;
	[tilespmem:$0x8200] =	vst v63  }
0x14d: {  	v3 =	vld [tilespmem:$0x1D0];
	_ =	sdelay $0x4  }
0x14e: {  	v61 =	vshll.u32 v3, $0x1  }
0x14f: {  	v3 =	vand.u32 $0x7, v3;
	v4 =	vand.u32 $0xFFFFFFF0, v61  }
0x150: {  	v3 =	vor.u32 v3, v4  }
0x151: {  	v4 =	vperm.xlane v3, v0;
	_ =	sdelay $0x1  }
0x152: {  	v3 =	vperm.xlane v3, v2;
	v4 =	vadd.s32 v1, v4;
	_ =	sdelay $0x1  }
0x153: {  	v3 =	vadd.s32 v1, v3;
	_ =	sdelay $0x2  }
0x154: {  	[tilespmem:s21], [sflag:$0x1] =	stream.indirect_vreg.gather [hbm4b:s1+s2], $0x80, v4, vm0, $0xb8;
	[tilespmem:$0x8200] =	vst v63  }
0x155: {  	_ = 	snop  }
0x156: {  	[tilespmem:s22], [sflag:$0x1] =	stream.indirect_vreg.gather [hbm4b:s1+s2], $0x80, v3, vm0, $0xb8;
	[tilespmem:$0x8200] =	vst v63  }
0x157: {  	v3 =	vld [tilespmem:$0x1E0];
	_ =	sdelay $0x4  }
0x158: {  	v62 =	vshll.u32 v3, $0x1  }
0x159: {  	v3 =	vand.u32 $0x7, v3;
	v4 =	vand.u32 $0xFFFFFFF0, v62  }
0x15a: {  	v3 =	vor.u32 v3, v4  }
0x15b: {  	v4 =	vperm.xlane v3, v0;
	_ =	sdelay $0x1  }
0x15c: {  	v3 =	vperm.xlane v3, v2;
	v4 =	vadd.s32 v1, v4;
	_ =	sdelay $0x1  }
0x15d: {  	v3 =	vadd.s32 v1, v3;
	_ =	sdelay $0x2  }
0x15e: {  	[tilespmem:s23], [sflag:$0x1] =	stream.indirect_vreg.gather [hbm4b:s1+s2], $0x80, v4, vm0, $0xb8;
	[tilespmem:$0x8200] =	vst v63  }
0x15f: {  	_ = 	snop  }
0x160: {  	[tilespmem:s24], [sflag:$0x1] =	stream.indirect_vreg.gather [hbm4b:s1+s2], $0x80, v3, vm0, $0xb8;
	[tilespmem:$0x8200] =	vst v63  }
0x161: {  	v3 =	vld [tilespmem:$0x1F0];
	_ =	sdelay $0x4  }
0x162: {  	v63 =	vshll.u32 v3, $0x1  }
0x163: {  	v3 =	vand.u32 $0x7, v3;
	v4 =	vand.u32 $0xFFFFFFF0, v63  }
0x164: {  	v3 =	vor.u32 v3, v4  }
0x165: {  	v4 =	vperm.xlane v3, v0;
	_ =	sdelay $0x1  }
0x166: {  	v3 =	vperm.xlane v3, v2;
	v4 =	vadd.s32 v1, v4;
	_ =	sdelay $0x1  }
0x167: {  	v3 =	vadd.s32 v1, v3;
	_ =	sdelay $0x2  }
0x168: {  	[tilespmem:s25], [sflag:$0x1] =	stream.indirect_vreg.gather [hbm4b:s1+s2], $0x80, v4, vm0, $0xb8;
	[tilespmem:$0x8200] =	vst v63  }
0x169: {  	_ = 	snop  }
0x16a: {  	[tilespmem:s26], [sflag:$0x1] =	stream.indirect_vreg.gather [hbm4b:s1+s2], $0x80, v3, vm0, $0xb8;
	[tilespmem:$0x8200] =	vst v63  }
0x16b: {  	_ =	swait.ge [sflag:s28], $0x8000  }
0x16c: {  	p0 =	sne.s32 s9, $0x1;
	[sflag:s28] =	ssyncset.done $0x0  }
.Ltmp0:
0x16d: {  	[sflag:s28] =	ssyncadd.s32 $0xFFFF8000;
	(pc) =	sbr.rel @p0 .LBB2_1-.Ltmp0, $4  }
0x16e: {  	[hbm4b:s8+s2] =	stream.linear.scatter [tilespmem:s11], [sflag:$0x2], $0x8000, $0x38;
	[tilespmem:$0x8200] =	vst v63  }
0x16f: {  	_ =	swait.ge [sflag:s10], $0x8000  }
0x170: {  	[sflag:s10] =	ssyncset.done $0x0  }
0x171: {  	s9 =	sadd.s32 $0xFFFFFFFF, s9;
	[sflag:s10] =	ssyncadd.s32 $0xFFFF8000  }
0x172: {  	_ =	sfence.sel $0x180000  }
0x173: {  	[bflag:$0x0] =	sbarrier.arrive $0xFFFF  }
0x174: {  	p0 =	sne.s32 s3, $0x0;
	_ =	strace $0x90000047  }
0x175: {  	s0 =	sadd.s32 @!p0 $0x100000, s0;
	[bflag:$0x2] =	sbarrier.arrive $0xFFFF  }
0x176: {  	[sflag:s0] =	ssyncadd.tile.s32 @!p0 $0x1;
	_ =	shalt  }
.Lfunc_end2:
_tile_overlayer_lowered:
.L_overlay_start_2:
0x177: {  	(tag) =	ssettag $0x2  }
0x178: {  	s0 =	rddreg [dreg:$0x0];
	s2 =	stileid.u32  }
0x179: {  	s1 =	rddreg [dreg:$0x1];
	p0 =	sne.s32 s2, $0x0  }
0x17a: {  	s3 =	rddreg [dreg:$0x2];
	[bflag:$0x3] =	sbarrier.arrive $0xFFFF;
	s2 =	simm.s32 @!p0 $0x1C02  }
0x17b: {  	[timem:s3], [sflag:s2] =	dma.local @!p0 [hbm:s0], s1  }
0x17c: {  	s0 =	simm.s32 @!p0 $0x2  }
0x17d: {  	_ =	swait.ge @!p0 [sflag:s0], s1  }
0x17e: {  	s1 =	ssub.s32 @!p0 $0x0, s1;
	[sflag:s0] =	ssyncset.done @!p0 $0x0  }
0x17f: {  	[sflag:s0] =	ssyncadd.s32 @!p0 s1  }
0x180: {  	[bflag:$0x3] =	sbarrier.arrive $0xFFFF  }
0x181: {  	_ =	shalt  }

</sc_bundles>
